<compile_context>
chip_gen: v7x
topology: tpu7x:2x2x1
jax: 0.10.2.dev20260603
libtpu: 0.0.44.dev20260713+nightly
codegen_flags: <defaults>
</compile_context>

<pallas_src>
import jax
import jax.numpy as jnp
from jax import lax
from jax.experimental import pallas as pl
from jax.experimental.pallas import tpu as pltpu
from jax.experimental.pallas import tpu_sc as plsc

VOCAB = 100000
EMBED = 64
NC, NS = 2, 16
NW = NC * NS
G = 128
VPAD = 102400
H = 200
BATCH = 16384
BT_PER_W = (BATCH // G) // NW
TPB = H // 8
NT = BT_PER_W * TPB


def _remap_body(idmap_hbm, table_hbm, remap_hbm, idx_v, rows_v, gsem, w0, w1):
    wid = lax.axis_index("s") * NC + lax.axis_index("c")
    gpw = VPAD // (G * NW)
    base_g = wid * gpw

    def load_idx(i):
        pltpu.sync_copy(
            idmap_hbm.at[pl.ds((base_g + i) * G, G)],
            idx_v.at[pl.ds(lax.rem(i, 2) * G, G)],
        )

    def fire(i):
        pltpu.async_copy(
            table_hbm.at[idx_v.at[pl.ds(lax.rem(i, 2) * G, G)]],
            rows_v.at[pl.ds(lax.rem(i, 2) * G, G)],
            gsem,
        )

    def gwait():
        pltpu.make_async_copy(
            table_hbm.at[pl.ds(0, G)], rows_v.at[pl.ds(0, G)], gsem
        ).wait()

    def wdrain(s):
        pltpu.make_async_copy(
            rows_v.at[pl.ds(0, G)], remap_hbm.at[pl.ds(0, G)], s
        ).wait()

    load_idx(jnp.int32(0))
    fire(jnp.int32(0))

    @pl.loop(0, gpw)
    def body(i):
        p = lax.rem(i, 2)

        @pl.when(i + 1 < gpw)
        def _():
            load_idx(i + 1)

        gwait()

        @pl.when((i >= 1) & (i + 1 < gpw) & (p == 0))
        def _():
            wdrain(w1)

        @pl.when((i >= 1) & (i + 1 < gpw) & (p == 1))
        def _():
            wdrain(w0)

        @pl.when(i + 1 < gpw)
        def _():
            fire(i + 1)

        dst = remap_hbm.at[pl.ds((base_g + i) * G, G)]

        @pl.when(p == 0)
        def _():
            pltpu.async_copy(rows_v.at[pl.ds(0, G)], dst, w0)

        @pl.when(p == 1)
        def _():
            pltpu.async_copy(rows_v.at[pl.ds(G, G)], dst, w1)

    wdrain(w0)
    wdrain(w1)


def _gather_body(
    idsT_hbm, remap_hbm, out_hbm,
    ib_v, rows_v, trs_v,
    gsem, wsem0, wsem1, isem,
):
    wid = lax.axis_index("s") * NC + lax.axis_index("c")
    it16 = lax.iota(jnp.int32, 16)
    NB = NT * 8
    z16 = jnp.zeros((16,), jnp.int32)

    def load_idx_tile(T):
        col = (wid * BT_PER_W + T // TPB) * G
        row = lax.rem(T, TPB) * 8
        pltpu.async_copy(
            idsT_hbm.at[pl.ds(row, 8), pl.ds(col, G)],
            ib_v.at[pl.ds(lax.rem(T, 2) * 8, 8)],
            isem,
        )

    def idx_wait():
        pltpu.make_async_copy(
            idsT_hbm.at[pl.ds(0, 8), pl.ds(0, G)], ib_v.at[pl.ds(0, 8)], isem
        ).wait()

    def fire_gather(j1, p1):
        slot = lax.rem(j1 // 8, 2) * 8 + lax.rem(j1, 8)
        pltpu.async_copy(
            remap_hbm.at[ib_v.at[slot]],
            rows_v.at[pl.ds(p1 * G, G)],
            gsem,
        )

    def gather_wait():
        pltpu.make_async_copy(
            remap_hbm.at[pl.ds(0, G)], rows_v.at[pl.ds(0, G)], gsem
        ).wait()

    def write_drain(sem):
        pltpu.make_async_copy(
            trs_v.at[pl.ds(0, 1)],
            out_hbm.at[pl.ds(0, 1), :, pl.ds(0, 1), :, :],
            sem,
        ).wait()

    load_idx_tile(jnp.int32(0))
    idx_wait()
    fire_gather(jnp.int32(0), jnp.int32(0))
    fire_gather(jnp.int32(1), jnp.int32(1))
    fire_gather(jnp.int32(2), jnp.int32(2))

    @pl.loop(0, NT)
    def outer(T):
        @pl.when(T + 1 < NT)
        def _():
            load_idx_tile(T + 1)

        col_t = wid * BT_PER_W + T // TPB
        hbase = lax.rem(T, TPB) * 8

        @pl.loop(0, 8)
        def inner(dh):
            j = T * 8 + dh
            p = lax.rem(dh, 2)

            gather_wait()

            @pl.when((dh == 5) & (T + 1 < NT))
            def _():
                idx_wait()

            @pl.when(j + 3 < NB)
            def _():
                fire_gather(j + 3, lax.rem(dh + 3, 4))

            @pl.when((j >= 2) & (p == 0))
            def _():
                write_drain(wsem0)

            @pl.when((j >= 2) & (p == 1))
            def _():
                write_drain(wsem1)

            pG = lax.rem(dh, 4) * G
            p16 = jnp.full((16,), p, jnp.int32)
            ridx64s = [
                (pG + t0 * 16 + it16) * EMBED for t0 in range(G // 16)
            ]
            tvecs = [t0 * 16 + it16 for t0 in range(G // 16)]

            @plsc.parallel_loop(0, EMBED, unroll=4)
            def tbody(e):
                col = lax.bitwise_and(jnp.full((16,), e, jnp.int32) + it16, 63)
                e8v = lax.shift_right_logical(col, 3)
                elv = lax.bitwise_and(col, 7)
                for t0 in range(G // 16):
                    v = plsc.load_gather(rows_v, [z16, ridx64s[t0] + col])
                    plsc.store_scatter(
                        trs_v, [p16, e8v, z16, elv, tvecs[t0]], v
                    )

            dst = out_hbm.at[pl.ds(hbase + dh, 1), :, pl.ds(col_t, 1), :, :]

            @pl.when(p == 0)
            def _():
                pltpu.async_copy(trs_v.at[pl.ds(0, 1)], dst, wsem0)

            @pl.when(p == 1)
            def _():
                pltpu.async_copy(trs_v.at[pl.ds(1, 1)], dst, wsem1)

    write_drain(wsem0)
    write_drain(wsem1)


def kernel(input_ids, id_map, table):
    B, HH = input_ids.shape
    idsT = input_ids.astype(jnp.int32).T
    idm = id_map.astype(jnp.int32)
    idm = jnp.concatenate([idm, jnp.zeros((VPAD - VOCAB,), jnp.int32)])
    table = table.astype(jnp.float32)

    mesh = plsc.VectorSubcoreMesh(core_axis_name="c", subcore_axis_name="s")
    params = pltpu.CompilerParams(
        use_tc_tiling_on_sc=False, needs_layout_passes=False
    )

    remap = pl.kernel(
        _remap_body,
        out_type=jax.ShapeDtypeStruct((VPAD, EMBED), jnp.float32),
        mesh=mesh,
        compiler_params=params,
        scratch_types=[
            pltpu.VMEM((2 * G,), jnp.int32),
            pltpu.VMEM((2 * G, EMBED), jnp.float32),
            pltpu.SemaphoreType.DMA,
            pltpu.SemaphoreType.DMA,
            pltpu.SemaphoreType.DMA,
        ],
        name="remap_table_sc",
    )(idm, table)

    out5 = pl.kernel(
        _gather_body,
        out_type=jax.ShapeDtypeStruct((H, 8, BATCH // G, 8, G), jnp.float32),
        mesh=mesh,
        compiler_params=params,
        scratch_types=[
            pltpu.VMEM((16, G), jnp.int32),
            pltpu.VMEM((4 * G, EMBED), jnp.float32),
            pltpu.VMEM((2, 8, 1, 8, G), jnp.float32),
            pltpu.SemaphoreType.DMA,
            pltpu.SemaphoreType.DMA,
            pltpu.SemaphoreType.DMA,
            pltpu.SemaphoreType.DMA,
        ],
        name="token_gather_sc",
    )(idsT, remap)

    return out5.transpose(2, 4, 0, 1, 3).reshape(B, HH, EMBED)

# --- scband reference (transcript-rebuilt; emitter-appended) ---
"""Pipeline reference for scband-remap-token-embedding-1657857376642 (READ-ONLY COPY).

The authoritative reference and input builder live on the scoring server;
editing this copy changes nothing except your own understanding.
"""

import jax, jax.numpy as jnp
import numpy as np

VOCAB = 100000
EMBED_DIM = 64
BATCH = 16384
HIST = 200

def setup_inputs(seed: int = 0) -> dict:
    key = jax.random.key(seed)
    # id_map: a permutation of [0, VOCAB) -> every raw id maps to a valid compact id,
    # so (id_map != -1).sum() == VOCAB and the embedding table has VOCAB rows.
    id_map = jax.random.permutation(jax.random.fold_in(key, 1), VOCAB).astype(jnp.int64)
    input_ids = jax.random.randint(jax.random.fold_in(key, 2), (BATCH, HIST), 0, VOCAB, dtype=jnp.int64)
    # learned embedding table, sized per (id_map != -1).sum() == VOCAB
    table = jax.random.normal(jax.random.fold_in(key, 3), (VOCAB, EMBED_DIM), dtype=jnp.float32)
    return {"input_ids": input_ids, "id_map": id_map, "table": table}

def reference(input_ids, id_map, table):
    # faithful translation of RemapTokenEmbedding.forward
    remapped = jnp.take(id_map, input_ids, axis=0)
    out = jnp.take(table, remapped, axis=0)
    return out

if __name__ == "__main__":
    import jax
    _d = setup_inputs()
    print(jax.jit(kernel)(*tuple(_d.values())))

</pallas_src>

<mosaic_0001>
#map = affine_map<(d0, d1) -> (0)>
#map1 = affine_map<(d0, d1) -> (0, 0)>
module attributes {stable_mosaic.version = 14 : i64} {
  func.func @remap_table_sc(%arg0: i32, %arg1: i32, %arg2: memref<102400xi32, #tpu.memory_space<hbm>>, %arg3: memref<100000x64xf32, #tpu.memory_space<hbm>>, %arg4: memref<102400x64xf32, #tpu.memory_space<hbm>>, %arg5: memref<256xi32, #tpu.memory_space<vmem>>, %arg6: memref<256x64xf32, #tpu.memory_space<vmem>>, %arg7: memref<!tpu.dma_semaphore, #tpu.memory_space<semaphore_mem>>, %arg8: memref<!tpu.dma_semaphore, #tpu.memory_space<semaphore_mem>>, %arg9: memref<!tpu.dma_semaphore, #tpu.memory_space<semaphore_mem>>) attributes {dimension_semantics = [#tpu.dimension_semantics<core_parallel>, #tpu.dimension_semantics<subcore_parallel>], iteration_bounds = array<i64: 2, 16>, scalar_prefetch = 0 : i64, scratch_operands = 5 : i64, tpu.core_type = #tpu.core_type<sc_vector_subcore>, window_params = [{transform_indices = #map}, {transform_indices = #map1}, {transform_indices = #map1}]} {
    %mul3A = arith.constant 2 : i32
    %mul3A_0 = arith.muli %arg1, %mul3A : i32
    %add3A = arith.addi %mul3A_0, %arg0 : i32
    %mul3A_1 = arith.constant 25 : i32
    %mul3A_2 = arith.muli %add3A, %mul3A_1 : i32
    %add3A_3 = arith.constant 0 : i32
    %add3A_4 = arith.addi %mul3A_2, %add3A_3 : i32
    %mul3A_5 = arith.constant 128 : i32
    %mul3A_6 = arith.muli %add3A_4, %mul3A_5 : i32
    %rem3A = arith.constant 0 : i32
    %rem3A_7 = arith.constant 2 : i32
    %rem3A_8 = arith.remsi %rem3A, %rem3A_7 : i32
    %mul3A_9 = arith.constant 128 : i32
    %mul3A_10 = arith.muli %rem3A_8, %mul3A_9 : i32
    "tpu.region"() ({
      %run_scoped3A = tpu.sem_alloc : memref<!tpu.dma_semaphore, #tpu.memory_space<semaphore_mem>>
      %dma_start3A_53 = tpu.memref_slice %arg5[%mul3A_10] : memref<256xi32, #tpu.memory_space<vmem>> -> memref<128xi32, #tpu.memory_space<vmem>>
      %dma_start3A_54 = tpu.memref_slice %arg2[%mul3A_6] : memref<102400xi32, #tpu.memory_space<hbm>> -> memref<128xi32, #tpu.memory_space<hbm>>
      %dma_start3A_55 = tpu.memref_slice %arg5[%mul3A_10] : memref<256xi32, #tpu.memory_space<vmem>> -> memref<128xi32, #tpu.memory_space<vmem>>
      %dma_start3A_56 = tpu.memref_slice %arg2[%mul3A_6] : memref<102400xi32, #tpu.memory_space<hbm>> -> memref<128xi32, #tpu.memory_space<hbm>>
      tpu.enqueue_dma source(%dma_start3A_56 : memref<128xi32, #tpu.memory_space<hbm>>) target(%dma_start3A_55 : memref<128xi32, #tpu.memory_space<vmem>>) target_semaphore(%run_scoped3A : memref<!tpu.dma_semaphore, #tpu.memory_space<semaphore_mem>>)
      %dma_wait3A_57 = tpu.memref_slice %arg5[%mul3A_10] : memref<256xi32, #tpu.memory_space<vmem>> -> memref<128xi32, #tpu.memory_space<vmem>>
      %dma_wait3A_58 = tpu.memref_slice %arg2[%mul3A_6] : memref<102400xi32, #tpu.memory_space<hbm>> -> memref<128xi32, #tpu.memory_space<hbm>>
      %dma_wait3A_59 = tpu.memref_slice %arg5[%mul3A_10] : memref<256xi32, #tpu.memory_space<vmem>> -> memref<128xi32, #tpu.memory_space<vmem>>
      %dma_wait3A_60 = tpu.memref_slice %arg2[%mul3A_6] : memref<102400xi32, #tpu.memory_space<hbm>> -> memref<128xi32, #tpu.memory_space<hbm>>
      tpu.wait_dma2 semaphore(%run_scoped3A : memref<!tpu.dma_semaphore, #tpu.memory_space<semaphore_mem>>) src(%dma_wait3A_60 : memref<128xi32, #tpu.memory_space<hbm>>) dst(%dma_wait3A_59 : memref<128xi32, #tpu.memory_space<vmem>>)
      tpu.yield
    }) : () -> ()
    %rem3A_11 = arith.constant 0 : i32
    %rem3A_12 = arith.constant 2 : i32
    %rem3A_13 = arith.remsi %rem3A_11, %rem3A_12 : i32
    %mul3A_14 = arith.constant 128 : i32
    %mul3A_15 = arith.muli %rem3A_13, %mul3A_14 : i32
    %rem3A_16 = arith.constant 0 : i32
    %rem3A_17 = arith.constant 2 : i32
    %rem3A_18 = arith.remsi %rem3A_16, %rem3A_17 : i32
    %mul3A_19 = arith.constant 128 : i32
    %mul3A_20 = arith.muli %rem3A_18, %mul3A_19 : i32
    %dma_start3A = arith.constant 0 : i32
    %dma_start3A_21 = tpu.memref_slice %arg6[%mul3A_20, %dma_start3A] : memref<256x64xf32, #tpu.memory_space<vmem>> -> memref<128x64xf32, #tpu.memory_space<vmem>>
    %dma_start3A_22 = tpu.memref_slice %arg5[%mul3A_15] : memref<256xi32, #tpu.memory_space<vmem>> -> memref<128xi32, #tpu.memory_space<vmem>>
    %dma_start3A_23 = arith.constant 0 : i32
    %dma_start3A_24 = arith.constant 0 : i32
    %dma_start3A_25 = tpu.memref_slice %arg3[%dma_start3A_23, %dma_start3A_24] : memref<100000x64xf32, #tpu.memory_space<hbm>> -> memref<100000x64xf32, #tpu.memory_space<hbm>>
    tpu.enqueue_indirect_dma source(%dma_start3A_25 : memref<100000x64xf32, #tpu.memory_space<hbm>>) target(%dma_start3A_21 : memref<128x64xf32, #tpu.memory_space<vmem>>) offsets(%dma_start3A_22 : memref<128xi32, #tpu.memory_space<vmem>>) semaphore(%arg7 : memref<!tpu.dma_semaphore, #tpu.memory_space<semaphore_mem>>)
    %scan3A = arith.constant 0 : i32
    %scan3A_26 = arith.constant 25 : i32
    %scan3A_27 = arith.addi %scan3A, %scan3A_26 : i32
    %scan3A_28 = arith.constant 1 : i32
    scf.for %scan3A_53 = %scan3A to %scan3A_27 step %scan3A_28  : i32 {
      %mul3A_54 = arith.constant 1 : i32
      %mul3A_55 = arith.muli %scan3A_53, %mul3A_54 : i32
      %add3A_56 = arith.constant 0 : i32
      %add3A_57 = arith.addi %add3A_56, %mul3A_55 : i32
      %rem3A_58 = arith.constant 2 : i32
      %rem3A_59 = arith.remsi %add3A_57, %rem3A_58 : i32
      %add3A_60 = arith.constant 1 : i32
      %add3A_61 = arith.addi %add3A_57, %add3A_60 : i32
      %lt3A = arith.constant 25 : i32
      %lt3A_62 = arith.cmpi slt, %add3A_61, %lt3A : i32
      %convert_element_type3A = arith.extui %lt3A_62 : i1 to i32
      %cond3A = arith.constant 0 : i32
      %cond3A_63 = arith.cmpi ne, %convert_element_type3A, %cond3A : i32
      scf.if %cond3A_63 {
        %add3A_119 = arith.constant 1 : i32
        %add3A_120 = arith.addi %add3A_57, %add3A_119 : i32
        %add3A_121 = arith.addi %mul3A_2, %add3A_120 : i32
        %mul3A_122 = arith.constant 128 : i32
        %mul3A_123 = arith.muli %add3A_121, %mul3A_122 : i32
        %rem3A_124 = arith.constant 2 : i32
        %rem3A_125 = arith.remsi %add3A_120, %rem3A_124 : i32
        %mul3A_126 = arith.constant 128 : i32
        %mul3A_127 = arith.muli %rem3A_125, %mul3A_126 : i32
        "tpu.region"() ({
          %run_scoped3A = tpu.sem_alloc : memref<!tpu.dma_semaphore, #tpu.memory_space<semaphore_mem>>
          %dma_start3A_128 = tpu.memref_slice %arg5[%mul3A_127] : memref<256xi32, #tpu.memory_space<vmem>> -> memref<128xi32, #tpu.memory_space<vmem>>
          %dma_start3A_129 = tpu.memref_slice %arg2[%mul3A_123] : memref<102400xi32, #tpu.memory_space<hbm>> -> memref<128xi32, #tpu.memory_space<hbm>>
          %dma_start3A_130 = tpu.memref_slice %arg5[%mul3A_127] : memref<256xi32, #tpu.memory_space<vmem>> -> memref<128xi32, #tpu.memory_space<vmem>>
          %dma_start3A_131 = tpu.memref_slice %arg2[%mul3A_123] : memref<102400xi32, #tpu.memory_space<hbm>> -> memref<128xi32, #tpu.memory_space<hbm>>
          tpu.enqueue_dma source(%dma_start3A_131 : memref<128xi32, #tpu.memory_space<hbm>>) target(%dma_start3A_130 : memref<128xi32, #tpu.memory_space<vmem>>) target_semaphore(%run_scoped3A : memref<!tpu.dma_semaphore, #tpu.memory_space<semaphore_mem>>)
          %dma_wait3A_132 = tpu.memref_slice %arg5[%mul3A_127] : memref<256xi32, #tpu.memory_space<vmem>> -> memref<128xi32, #tpu.memory_space<vmem>>
          %dma_wait3A_133 = tpu.memref_slice %arg2[%mul3A_123] : memref<102400xi32, #tpu.memory_space<hbm>> -> memref<128xi32, #tpu.memory_space<hbm>>
          %dma_wait3A_134 = tpu.memref_slice %arg5[%mul3A_127] : memref<256xi32, #tpu.memory_space<vmem>> -> memref<128xi32, #tpu.memory_space<vmem>>
          %dma_wait3A_135 = tpu.memref_slice %arg2[%mul3A_123] : memref<102400xi32, #tpu.memory_space<hbm>> -> memref<128xi32, #tpu.memory_space<hbm>>
          tpu.wait_dma2 semaphore(%run_scoped3A : memref<!tpu.dma_semaphore, #tpu.memory_space<semaphore_mem>>) src(%dma_wait3A_135 : memref<128xi32, #tpu.memory_space<hbm>>) dst(%dma_wait3A_134 : memref<128xi32, #tpu.memory_space<vmem>>)
          tpu.yield
        }) : () -> ()
      } else {
      }
      %dma_wait3A_64 = arith.constant 0 : i32
      %dma_wait3A_65 = arith.constant 0 : i32
      %dma_wait3A_66 = tpu.memref_slice %arg6[%dma_wait3A_64, %dma_wait3A_65] : memref<256x64xf32, #tpu.memory_space<vmem>> -> memref<128x64xf32, #tpu.memory_space<vmem>>
      %dma_wait3A_67 = arith.constant 0 : i32
      %dma_wait3A_68 = arith.constant 0 : i32
      %dma_wait3A_69 = tpu.memref_slice %arg3[%dma_wait3A_67, %dma_wait3A_68] : memref<100000x64xf32, #tpu.memory_space<hbm>> -> memref<128x64xf32, #tpu.memory_space<hbm>>
      %dma_wait3A_70 = arith.constant 0 : i32
      %dma_wait3A_71 = arith.constant 0 : i32
      %dma_wait3A_72 = tpu.memref_slice %arg6[%dma_wait3A_70, %dma_wait3A_71] : memref<256x64xf32, #tpu.memory_space<vmem>> -> memref<128x64xf32, #tpu.memory_space<vmem>>
      %dma_wait3A_73 = arith.constant 0 : i32
      %dma_wait3A_74 = arith.constant 0 : i32
      %dma_wait3A_75 = tpu.memref_slice %arg3[%dma_wait3A_73, %dma_wait3A_74] : memref<100000x64xf32, #tpu.memory_space<hbm>> -> memref<128x64xf32, #tpu.memory_space<hbm>>
      tpu.wait_dma2 semaphore(%arg7 : memref<!tpu.dma_semaphore, #tpu.memory_space<semaphore_mem>>) src(%dma_wait3A_75 : memref<128x64xf32, #tpu.memory_space<hbm>>) dst(%dma_wait3A_72 : memref<128x64xf32, #tpu.memory_space<vmem>>)
      %ge3A = arith.constant 1 : i32
      %ge3A_76 = arith.cmpi sge, %add3A_57, %ge3A : i32
      %add3A_77 = arith.constant 1 : i32
      %add3A_78 = arith.addi %add3A_57, %add3A_77 : i32
      %lt3A_79 = arith.constant 25 : i32
      %lt3A_80 = arith.cmpi slt, %add3A_78, %lt3A_79 : i32
      %and3A = arith.andi %ge3A_76, %lt3A_80 : i1
      %eq3A = arith.constant 0 : i32
      %eq3A_81 = arith.cmpi eq, %rem3A_59, %eq3A : i32
      %and3A_82 = arith.andi %and3A, %eq3A_81 : i1
      %convert_element_type3A_83 = arith.extui %and3A_82 : i1 to i32
      %cond3A_84 = arith.constant 0 : i32
      %cond3A_85 = arith.cmpi ne, %convert_element_type3A_83, %cond3A_84 : i32
      scf.if %cond3A_85 {
        %dma_wait3A_119 = arith.constant 0 : i32
        %dma_wait3A_120 = arith.constant 0 : i32
        %dma_wait3A_121 = tpu.memref_slice %arg6[%dma_wait3A_119, %dma_wait3A_120] : memref<256x64xf32, #tpu.memory_space<vmem>> -> memref<128x64xf32, #tpu.memory_space<vmem>>
        %dma_wait3A_122 = arith.constant 0 : i32
        %dma_wait3A_123 = arith.constant 0 : i32
        %dma_wait3A_124 = tpu.memref_slice %arg4[%dma_wait3A_122, %dma_wait3A_123] : memref<102400x64xf32, #tpu.memory_space<hbm>> -> memref<128x64xf32, #tpu.memory_space<hbm>>
        %dma_wait3A_125 = arith.constant 0 : i32
        %dma_wait3A_126 = arith.constant 0 : i32
        %dma_wait3A_127 = tpu.memref_slice %arg4[%dma_wait3A_125, %dma_wait3A_126] : memref<102400x64xf32, #tpu.memory_space<hbm>> -> memref<128x64xf32, #tpu.memory_space<hbm>>
        %dma_wait3A_128 = arith.constant 0 : i32
        %dma_wait3A_129 = arith.constant 0 : i32
        %dma_wait3A_130 = tpu.memref_slice %arg6[%dma_wait3A_128, %dma_wait3A_129] : memref<256x64xf32, #tpu.memory_space<vmem>> -> memref<128x64xf32, #tpu.memory_space<vmem>>
        tpu.wait_dma2 semaphore(%arg9 : memref<!tpu.dma_semaphore, #tpu.memory_space<semaphore_mem>>) src(%dma_wait3A_130 : memref<128x64xf32, #tpu.memory_space<vmem>>) dst(%dma_wait3A_127 : memref<128x64xf32, #tpu.memory_space<hbm>>)
      } else {
      }
      %ge3A_86 = arith.constant 1 : i32
      %ge3A_87 = arith.cmpi sge, %add3A_57, %ge3A_86 : i32
      %add3A_88 = arith.constant 1 : i32
      %add3A_89 = arith.addi %add3A_57, %add3A_88 : i32
      %lt3A_90 = arith.constant 25 : i32
      %lt3A_91 = arith.cmpi slt, %add3A_89, %lt3A_90 : i32
      %and3A_92 = arith.andi %ge3A_87, %lt3A_91 : i1
      %eq3A_93 = arith.constant 1 : i32
      %eq3A_94 = arith.cmpi eq, %rem3A_59, %eq3A_93 : i32
      %and3A_95 = arith.andi %and3A_92, %eq3A_94 : i1
      %convert_element_type3A_96 = arith.extui %and3A_95 : i1 to i32
      %cond3A_97 = arith.constant 0 : i32
      %cond3A_98 = arith.cmpi ne, %convert_element_type3A_96, %cond3A_97 : i32
      scf.if %cond3A_98 {
        %dma_wait3A_119 = arith.constant 0 : i32
        %dma_wait3A_120 = arith.constant 0 : i32
        %dma_wait3A_121 = tpu.memref_slice %arg6[%dma_wait3A_119, %dma_wait3A_120] : memref<256x64xf32, #tpu.memory_space<vmem>> -> memref<128x64xf32, #tpu.memory_space<vmem>>
        %dma_wait3A_122 = arith.constant 0 : i32
        %dma_wait3A_123 = arith.constant 0 : i32
        %dma_wait3A_124 = tpu.memref_slice %arg4[%dma_wait3A_122, %dma_wait3A_123] : memref<102400x64xf32, #tpu.memory_space<hbm>> -> memref<128x64xf32, #tpu.memory_space<hbm>>
        %dma_wait3A_125 = arith.constant 0 : i32
        %dma_wait3A_126 = arith.constant 0 : i32
        %dma_wait3A_127 = tpu.memref_slice %arg4[%dma_wait3A_125, %dma_wait3A_126] : memref<102400x64xf32, #tpu.memory_space<hbm>> -> memref<128x64xf32, #tpu.memory_space<hbm>>
        %dma_wait3A_128 = arith.constant 0 : i32
        %dma_wait3A_129 = arith.constant 0 : i32
        %dma_wait3A_130 = tpu.memref_slice %arg6[%dma_wait3A_128, %dma_wait3A_129] : memref<256x64xf32, #tpu.memory_space<vmem>> -> memref<128x64xf32, #tpu.memory_space<vmem>>
        tpu.wait_dma2 semaphore(%arg8 : memref<!tpu.dma_semaphore, #tpu.memory_space<semaphore_mem>>) src(%dma_wait3A_130 : memref<128x64xf32, #tpu.memory_space<vmem>>) dst(%dma_wait3A_127 : memref<128x64xf32, #tpu.memory_space<hbm>>)
      } else {
      }
      %add3A_99 = arith.constant 1 : i32
      %add3A_100 = arith.addi %add3A_57, %add3A_99 : i32
      %lt3A_101 = arith.constant 25 : i32
      %lt3A_102 = arith.cmpi slt, %add3A_100, %lt3A_101 : i32
      %convert_element_type3A_103 = arith.extui %lt3A_102 : i1 to i32
      %cond3A_104 = arith.constant 0 : i32
      %cond3A_105 = arith.cmpi ne, %convert_element_type3A_103, %cond3A_104 : i32
      scf.if %cond3A_105 {
        %add3A_119 = arith.constant 1 : i32
        %add3A_120 = arith.addi %add3A_57, %add3A_119 : i32
        %rem3A_121 = arith.constant 2 : i32
        %rem3A_122 = arith.remsi %add3A_120, %rem3A_121 : i32
        %mul3A_123 = arith.constant 128 : i32
        %mul3A_124 = arith.muli %rem3A_122, %mul3A_123 : i32
        %rem3A_125 = arith.constant 2 : i32
        %rem3A_126 = arith.remsi %add3A_120, %rem3A_125 : i32
        %mul3A_127 = arith.constant 128 : i32
        %mul3A_128 = arith.muli %rem3A_126, %mul3A_127 : i32
        %dma_start3A_129 = arith.constant 0 : i32
        %dma_start3A_130 = tpu.memref_slice %arg6[%mul3A_128, %dma_start3A_129] : memref<256x64xf32, #tpu.memory_space<vmem>> -> memref<128x64xf32, #tpu.memory_space<vmem>>
        %dma_start3A_131 = tpu.memref_slice %arg5[%mul3A_124] : memref<256xi32, #tpu.memory_space<vmem>> -> memref<128xi32, #tpu.memory_space<vmem>>
        %dma_start3A_132 = arith.constant 0 : i32
        %dma_start3A_133 = arith.constant 0 : i32
        %dma_start3A_134 = tpu.memref_slice %arg3[%dma_start3A_132, %dma_start3A_133] : memref<100000x64xf32, #tpu.memory_space<hbm>> -> memref<100000x64xf32, #tpu.memory_space<hbm>>
        tpu.enqueue_indirect_dma source(%dma_start3A_134 : memref<100000x64xf32, #tpu.memory_space<hbm>>) target(%dma_start3A_130 : memref<128x64xf32, #tpu.memory_space<vmem>>) offsets(%dma_start3A_131 : memref<128xi32, #tpu.memory_space<vmem>>) semaphore(%arg7 : memref<!tpu.dma_semaphore, #tpu.memory_space<semaphore_mem>>)
      } else {
      }
      %add3A_106 = arith.addi %mul3A_2, %add3A_57 : i32
      %mul3A_107 = arith.constant 128 : i32
      %mul3A_108 = arith.muli %add3A_106, %mul3A_107 : i32
      %eq3A_109 = arith.constant 0 : i32
      %eq3A_110 = arith.cmpi eq, %rem3A_59, %eq3A_109 : i32
      %convert_element_type3A_111 = arith.extui %eq3A_110 : i1 to i32
      %cond3A_112 = arith.constant 0 : i32
      %cond3A_113 = arith.cmpi ne, %convert_element_type3A_111, %cond3A_112 : i32
      scf.if %cond3A_113 {
        %dma_start3A_119 = arith.constant 0 : i32
        %dma_start3A_120 = arith.constant 0 : i32
        %dma_start3A_121 = tpu.memref_slice %arg6[%dma_start3A_119, %dma_start3A_120] : memref<256x64xf32, #tpu.memory_space<vmem>> -> memref<128x64xf32, #tpu.memory_space<vmem>>
        %dma_start3A_122 = arith.constant 0 : i32
        %dma_start3A_123 = tpu.memref_slice %arg4[%mul3A_108, %dma_start3A_122] : memref<102400x64xf32, #tpu.memory_space<hbm>> -> memref<128x64xf32, #tpu.memory_space<hbm>>
        %dma_start3A_124 = arith.constant 0 : i32
        %dma_start3A_125 = tpu.memref_slice %arg4[%mul3A_108, %dma_start3A_124] : memref<102400x64xf32, #tpu.memory_space<hbm>> -> memref<128x64xf32, #tpu.memory_space<hbm>>
        %dma_start3A_126 = arith.constant 0 : i32
        %dma_start3A_127 = arith.constant 0 : i32
        %dma_start3A_128 = tpu.memref_slice %arg6[%dma_start3A_126, %dma_start3A_127] : memref<256x64xf32, #tpu.memory_space<vmem>> -> memref<128x64xf32, #tpu.memory_space<vmem>>
        tpu.enqueue_dma source(%dma_start3A_128 : memref<128x64xf32, #tpu.memory_space<vmem>>) target(%dma_start3A_125 : memref<128x64xf32, #tpu.memory_space<hbm>>) target_semaphore(%arg8 : memref<!tpu.dma_semaphore, #tpu.memory_space<semaphore_mem>>)
      } else {
      }
      %eq3A_114 = arith.constant 1 : i32
      %eq3A_115 = arith.cmpi eq, %rem3A_59, %eq3A_114 : i32
      %convert_element_type3A_116 = arith.extui %eq3A_115 : i1 to i32
      %cond3A_117 = arith.constant 0 : i32
      %cond3A_118 = arith.cmpi ne, %convert_element_type3A_116, %cond3A_117 : i32
      scf.if %cond3A_118 {
        %dma_start3A_119 = arith.constant 128 : i32
        %dma_start3A_120 = arith.constant 0 : i32
        %dma_start3A_121 = tpu.memref_slice %arg6[%dma_start3A_119, %dma_start3A_120] : memref<256x64xf32, #tpu.memory_space<vmem>> -> memref<128x64xf32, #tpu.memory_space<vmem>>
        %dma_start3A_122 = arith.constant 0 : i32
        %dma_start3A_123 = tpu.memref_slice %arg4[%mul3A_108, %dma_start3A_122] : memref<102400x64xf32, #tpu.memory_space<hbm>> -> memref<128x64xf32, #tpu.memory_space<hbm>>
        %dma_start3A_124 = arith.constant 0 : i32
        %dma_start3A_125 = tpu.memref_slice %arg4[%mul3A_108, %dma_start3A_124] : memref<102400x64xf32, #tpu.memory_space<hbm>> -> memref<128x64xf32, #tpu.memory_space<hbm>>
        %dma_start3A_126 = arith.constant 128 : i32
        %dma_start3A_127 = arith.constant 0 : i32
        %dma_start3A_128 = tpu.memref_slice %arg6[%dma_start3A_126, %dma_start3A_127] : memref<256x64xf32, #tpu.memory_space<vmem>> -> memref<128x64xf32, #tpu.memory_space<vmem>>
        tpu.enqueue_dma source(%dma_start3A_128 : memref<128x64xf32, #tpu.memory_space<vmem>>) target(%dma_start3A_125 : memref<128x64xf32, #tpu.memory_space<hbm>>) target_semaphore(%arg9 : memref<!tpu.dma_semaphore, #tpu.memory_space<semaphore_mem>>)
      } else {
      }
    }
    %scan3A_29 = arith.constant 25 : i32
    %dma_wait3A = arith.constant 0 : i32
    %dma_wait3A_30 = arith.constant 0 : i32
    %dma_wait3A_31 = tpu.memref_slice %arg6[%dma_wait3A, %dma_wait3A_30] : memref<256x64xf32, #tpu.memory_space<vmem>> -> memref<128x64xf32, #tpu.memory_space<vmem>>
    %dma_wait3A_32 = arith.constant 0 : i32
    %dma_wait3A_33 = arith.constant 0 : i32
    %dma_wait3A_34 = tpu.memref_slice %arg4[%dma_wait3A_32, %dma_wait3A_33] : memref<102400x64xf32, #tpu.memory_space<hbm>> -> memref<128x64xf32, #tpu.memory_space<hbm>>
    %dma_wait3A_35 = arith.constant 0 : i32
    %dma_wait3A_36 = arith.constant 0 : i32
    %dma_wait3A_37 = tpu.memref_slice %arg4[%dma_wait3A_35, %dma_wait3A_36] : memref<102400x64xf32, #tpu.memory_space<hbm>> -> memref<128x64xf32, #tpu.memory_space<hbm>>
    %dma_wait3A_38 = arith.constant 0 : i32
    %dma_wait3A_39 = arith.constant 0 : i32
    %dma_wait3A_40 = tpu.memref_slice %arg6[%dma_wait3A_38, %dma_wait3A_39] : memref<256x64xf32, #tpu.memory_space<vmem>> -> memref<128x64xf32, #tpu.memory_space<vmem>>
    tpu.wait_dma2 semaphore(%arg8 : memref<!tpu.dma_semaphore, #tpu.memory_space<semaphore_mem>>) src(%dma_wait3A_40 : memref<128x64xf32, #tpu.memory_space<vmem>>) dst(%dma_wait3A_37 : memref<128x64xf32, #tpu.memory_space<hbm>>)
    %dma_wait3A_41 = arith.constant 0 : i32
    %dma_wait3A_42 = arith.constant 0 : i32
    %dma_wait3A_43 = tpu.memref_slice %arg6[%dma_wait3A_41, %dma_wait3A_42] : memref<256x64xf32, #tpu.memory_space<vmem>> -> memref<128x64xf32, #tpu.memory_space<vmem>>
    %dma_wait3A_44 = arith.constant 0 : i32
    %dma_wait3A_45 = arith.constant 0 : i32
    %dma_wait3A_46 = tpu.memref_slice %arg4[%dma_wait3A_44, %dma_wait3A_45] : memref<102400x64xf32, #tpu.memory_space<hbm>> -> memref<128x64xf32, #tpu.memory_space<hbm>>
    %dma_wait3A_47 = arith.constant 0 : i32
    %dma_wait3A_48 = arith.constant 0 : i32
    %dma_wait3A_49 = tpu.memref_slice %arg4[%dma_wait3A_47, %dma_wait3A_48] : memref<102400x64xf32, #tpu.memory_space<hbm>> -> memref<128x64xf32, #tpu.memory_space<hbm>>
    %dma_wait3A_50 = arith.constant 0 : i32
    %dma_wait3A_51 = arith.constant 0 : i32
    %dma_wait3A_52 = tpu.memref_slice %arg6[%dma_wait3A_50, %dma_wait3A_51] : memref<256x64xf32, #tpu.memory_space<vmem>> -> memref<128x64xf32, #tpu.memory_space<vmem>>
    tpu.wait_dma2 semaphore(%arg9 : memref<!tpu.dma_semaphore, #tpu.memory_space<semaphore_mem>>) src(%dma_wait3A_52 : memref<128x64xf32, #tpu.memory_space<vmem>>) dst(%dma_wait3A_49 : memref<128x64xf32, #tpu.memory_space<hbm>>)
    return
  }
}

#map = affine_map<(d0, d1) -> (0, 0)>
#map1 = affine_map<(d0, d1) -> (0, 0, 0, 0, 0)>
module attributes {stable_mosaic.version = 14 : i64} {
  func.func @token_gather_sc(%arg0: i32, %arg1: i32, %arg2: memref<200x16384xi32, #tpu.memory_space<hbm>>, %arg3: memref<102400x64xf32, #tpu.memory_space<hbm>>, %arg4: memref<200x8x128x8x128xf32, #tpu.memory_space<hbm>>, %arg5: memref<16x128xi32, #tpu.memory_space<vmem>>, %arg6: memref<512x64xf32, #tpu.memory_space<vmem>>, %arg7: memref<2x8x1x8x128xf32, #tpu.memory_space<vmem>>, %arg8: memref<!tpu.dma_semaphore, #tpu.memory_space<semaphore_mem>>, %arg9: memref<!tpu.dma_semaphore, #tpu.memory_space<semaphore_mem>>, %arg10: memref<!tpu.dma_semaphore, #tpu.memory_space<semaphore_mem>>, %arg11: memref<!tpu.dma_semaphore, #tpu.memory_space<semaphore_mem>>) attributes {dimension_semantics = [#tpu.dimension_semantics<core_parallel>, #tpu.dimension_semantics<subcore_parallel>], iteration_bounds = array<i64: 2, 16>, scalar_prefetch = 0 : i64, scratch_operands = 7 : i64, tpu.core_type = #tpu.core_type<sc_vector_subcore>, window_params = [{transform_indices = #map}, {transform_indices = #map}, {transform_indices = #map1}]} {
    %mul3A = arith.constant 2 : i32
    %mul3A_0 = arith.muli %arg1, %mul3A : i32
    %add3A = arith.addi %mul3A_0, %arg0 : i32
    %iota3A = tpu.iota {dimensions = array<i32: 0>} : vector<16xi32>
    %broadcast_in_dim3A = arith.constant 0 : i32
    %broadcast_in_dim3A_1 = vector.broadcast %broadcast_in_dim3A : i32 to vector<16xi32>
    %mul3A_2 = arith.constant 4 : i32
    %mul3A_3 = arith.muli %add3A, %mul3A_2 : i32
    %jit3A = arith.constant 0 : i32
    %jit3A_4 = arith.constant 25 : i32
    %div3A = arith.divsi %jit3A, %jit3A_4 : i32
    %sign3A = arith.constant 0 : i32
    %sign3A_5 = arith.cmpi sgt, %jit3A, %sign3A : i32
    %sign3A_6 = arith.extui %sign3A_5 : i1 to i32
    %sign3A_7 = arith.constant 0 : i32
    %sign3A_8 = arith.cmpi slt, %jit3A, %sign3A_7 : i32
    %sign3A_9 = arith.extui %sign3A_8 : i1 to i32
    %sign3A_10 = arith.subi %sign3A_6, %sign3A_9 : i32
    %sign3A_11 = arith.constant 0 : i32
    %sign3A_12 = arith.cmpi sgt, %jit3A_4, %sign3A_11 : i32
    %sign3A_13 = arith.extui %sign3A_12 : i1 to i32
    %sign3A_14 = arith.constant 0 : i32
    %sign3A_15 = arith.cmpi slt, %jit3A_4, %sign3A_14 : i32
    %sign3A_16 = arith.extui %sign3A_15 : i1 to i32
    %sign3A_17 = arith.subi %sign3A_13, %sign3A_16 : i32
    %ne3A = arith.cmpi ne, %sign3A_10, %sign3A_17 : i32
    %rem3A = arith.remsi %jit3A, %jit3A_4 : i32
    %ne3A_18 = arith.constant 0 : i32
    %ne3A_19 = arith.cmpi ne, %rem3A, %ne3A_18 : i32
    %and3A = arith.andi %ne3A, %ne3A_19 : i1
    %sub3A = arith.constant 1 : i32
    %sub3A_20 = arith.subi %div3A, %sub3A : i32
    %select_n3A = arith.select %and3A, %sub3A_20, %div3A : i32
    %add3A_21 = arith.addi %mul3A_3, %select_n3A : i32
    %mul3A_22 = arith.constant 128 : i32
    %mul3A_23 = arith.muli %add3A_21, %mul3A_22 : i32
    %rem3A_24 = arith.constant 0 : i32
    %rem3A_25 = arith.constant 25 : i32
    %rem3A_26 = arith.remsi %rem3A_24, %rem3A_25 : i32
    %mul3A_27 = arith.constant 8 : i32
    %mul3A_28 = arith.muli %rem3A_26, %mul3A_27 : i32
    %rem3A_29 = arith.constant 0 : i32
    %rem3A_30 = arith.constant 2 : i32
    %rem3A_31 = arith.remsi %rem3A_29, %rem3A_30 : i32
    %mul3A_32 = arith.constant 8 : i32
    %mul3A_33 = arith.muli %rem3A_31, %mul3A_32 : i32
    %dma_start3A = arith.constant 0 : i32
    %dma_start3A_34 = tpu.memref_slice %arg5[%mul3A_33, %dma_start3A] : memref<16x128xi32, #tpu.memory_space<vmem>> -> memref<8x128xi32, #tpu.memory_space<vmem>>
    %dma_start3A_35 = tpu.memref_slice %arg2[%mul3A_28, %mul3A_23] : memref<200x16384xi32, #tpu.memory_space<hbm>> -> memref<8x128xi32, #tpu.memory_space<hbm>>
    %dma_start3A_36 = arith.constant 0 : i32
    %dma_start3A_37 = tpu.memref_slice %arg5[%mul3A_33, %dma_start3A_36] : memref<16x128xi32, #tpu.memory_space<vmem>> -> memref<8x128xi32, #tpu.memory_space<vmem>>
    %dma_start3A_38 = tpu.memref_slice %arg2[%mul3A_28, %mul3A_23] : memref<200x16384xi32, #tpu.memory_space<hbm>> -> memref<8x128xi32, #tpu.memory_space<hbm>>
    tpu.enqueue_dma source(%dma_start3A_38 : memref<8x128xi32, #tpu.memory_space<hbm>>) target(%dma_start3A_37 : memref<8x128xi32, #tpu.memory_space<vmem>>) target_semaphore(%arg11 : memref<!tpu.dma_semaphore, #tpu.memory_space<semaphore_mem>>)
    %dma_wait3A = arith.constant 0 : i32
    %dma_wait3A_39 = arith.constant 0 : i32
    %dma_wait3A_40 = tpu.memref_slice %arg5[%dma_wait3A, %dma_wait3A_39] : memref<16x128xi32, #tpu.memory_space<vmem>> -> memref<8x128xi32, #tpu.memory_space<vmem>>
    %dma_wait3A_41 = arith.constant 0 : i32
    %dma_wait3A_42 = arith.constant 0 : i32
    %dma_wait3A_43 = tpu.memref_slice %arg2[%dma_wait3A_41, %dma_wait3A_42] : memref<200x16384xi32, #tpu.memory_space<hbm>> -> memref<8x128xi32, #tpu.memory_space<hbm>>
    %dma_wait3A_44 = arith.constant 0 : i32
    %dma_wait3A_45 = arith.constant 0 : i32
    %dma_wait3A_46 = tpu.memref_slice %arg5[%dma_wait3A_44, %dma_wait3A_45] : memref<16x128xi32, #tpu.memory_space<vmem>> -> memref<8x128xi32, #tpu.memory_space<vmem>>
    %dma_wait3A_47 = arith.constant 0 : i32
    %dma_wait3A_48 = arith.constant 0 : i32
    %dma_wait3A_49 = tpu.memref_slice %arg2[%dma_wait3A_47, %dma_wait3A_48] : memref<200x16384xi32, #tpu.memory_space<hbm>> -> memref<8x128xi32, #tpu.memory_space<hbm>>
    tpu.wait_dma2 semaphore(%arg11 : memref<!tpu.dma_semaphore, #tpu.memory_space<semaphore_mem>>) src(%dma_wait3A_49 : memref<8x128xi32, #tpu.memory_space<hbm>>) dst(%dma_wait3A_46 : memref<8x128xi32, #tpu.memory_space<vmem>>)
    %jit3A_50 = arith.constant 0 : i32
    %jit3A_51 = arith.constant 8 : i32
    %div3A_52 = arith.divsi %jit3A_50, %jit3A_51 : i32
    %sign3A_53 = arith.constant 0 : i32
    %sign3A_54 = arith.cmpi sgt, %jit3A_50, %sign3A_53 : i32
    %sign3A_55 = arith.extui %sign3A_54 : i1 to i32
    %sign3A_56 = arith.constant 0 : i32
    %sign3A_57 = arith.cmpi slt, %jit3A_50, %sign3A_56 : i32
    %sign3A_58 = arith.extui %sign3A_57 : i1 to i32
    %sign3A_59 = arith.subi %sign3A_55, %sign3A_58 : i32
    %sign3A_60 = arith.constant 0 : i32
    %sign3A_61 = arith.cmpi sgt, %jit3A_51, %sign3A_60 : i32
    %sign3A_62 = arith.extui %sign3A_61 : i1 to i32
    %sign3A_63 = arith.constant 0 : i32
    %sign3A_64 = arith.cmpi slt, %jit3A_51, %sign3A_63 : i32
    %sign3A_65 = arith.extui %sign3A_64 : i1 to i32
    %sign3A_66 = arith.subi %sign3A_62, %sign3A_65 : i32
    %ne3A_67 = arith.cmpi ne, %sign3A_59, %sign3A_66 : i32
    %rem3A_68 = arith.remsi %jit3A_50, %jit3A_51 : i32
    %ne3A_69 = arith.constant 0 : i32
    %ne3A_70 = arith.cmpi ne, %rem3A_68, %ne3A_69 : i32
    %and3A_71 = arith.andi %ne3A_67, %ne3A_70 : i1
    %sub3A_72 = arith.constant 1 : i32
    %sub3A_73 = arith.subi %div3A_52, %sub3A_72 : i32
    %select_n3A_74 = arith.select %and3A_71, %sub3A_73, %div3A_52 : i32
    %rem3A_75 = arith.constant 2 : i32
    %rem3A_76 = arith.remsi %select_n3A_74, %rem3A_75 : i32
    %mul3A_77 = arith.constant 8 : i32
    %mul3A_78 = arith.muli %rem3A_76, %mul3A_77 : i32
    %rem3A_79 = arith.constant 0 : i32
    %rem3A_80 = arith.constant 8 : i32
    %rem3A_81 = arith.remsi %rem3A_79, %rem3A_80 : i32
    %add3A_82 = arith.addi %mul3A_78, %rem3A_81 : i32
    %mul3A_83 = arith.constant 0 : i32
    %mul3A_84 = arith.constant 128 : i32
    %mul3A_85 = arith.muli %mul3A_83, %mul3A_84 : i32
    %dma_start3A_86 = arith.constant 0 : i32
    %dma_start3A_87 = tpu.memref_slice %arg6[%mul3A_85, %dma_start3A_86] : memref<512x64xf32, #tpu.memory_space<vmem>> -> memref<128x64xf32, #tpu.memory_space<vmem>>
    %dma_start3A_88 = arith.constant 0 : i32
    %dma_start3A_89 = tpu.memref_slice %arg5[%add3A_82, %dma_start3A_88] : memref<16x128xi32, #tpu.memory_space<vmem>> -> memref<1x128xi32, #tpu.memory_space<vmem>>
    %dma_start3A_90 = tpu.memref_squeeze %dma_start3A_89 : memref<1x128xi32, #tpu.memory_space<vmem>> -> memref<128xi32, #tpu.memory_space<vmem>>
    %dma_start3A_91 = arith.constant 0 : i32
    %dma_start3A_92 = arith.constant 0 : i32
    %dma_start3A_93 = tpu.memref_slice %arg3[%dma_start3A_91, %dma_start3A_92] : memref<102400x64xf32, #tpu.memory_space<hbm>> -> memref<102400x64xf32, #tpu.memory_space<hbm>>
    tpu.enqueue_indirect_dma source(%dma_start3A_93 : memref<102400x64xf32, #tpu.memory_space<hbm>>) target(%dma_start3A_87 : memref<128x64xf32, #tpu.memory_space<vmem>>) offsets(%dma_start3A_90 : memref<128xi32, #tpu.memory_space<vmem>>) semaphore(%arg8 : memref<!tpu.dma_semaphore, #tpu.memory_space<semaphore_mem>>)
    %jit3A_94 = arith.constant 1 : i32
    %jit3A_95 = arith.constant 8 : i32
    %div3A_96 = arith.divsi %jit3A_94, %jit3A_95 : i32
    %sign3A_97 = arith.constant 0 : i32
    %sign3A_98 = arith.cmpi sgt, %jit3A_94, %sign3A_97 : i32
    %sign3A_99 = arith.extui %sign3A_98 : i1 to i32
    %sign3A_100 = arith.constant 0 : i32
    %sign3A_101 = arith.cmpi slt, %jit3A_94, %sign3A_100 : i32
    %sign3A_102 = arith.extui %sign3A_101 : i1 to i32
    %sign3A_103 = arith.subi %sign3A_99, %sign3A_102 : i32
    %sign3A_104 = arith.constant 0 : i32
    %sign3A_105 = arith.cmpi sgt, %jit3A_95, %sign3A_104 : i32
    %sign3A_106 = arith.extui %sign3A_105 : i1 to i32
    %sign3A_107 = arith.constant 0 : i32
    %sign3A_108 = arith.cmpi slt, %jit3A_95, %sign3A_107 : i32
    %sign3A_109 = arith.extui %sign3A_108 : i1 to i32
    %sign3A_110 = arith.subi %sign3A_106, %sign3A_109 : i32
    %ne3A_111 = arith.cmpi ne, %sign3A_103, %sign3A_110 : i32
    %rem3A_112 = arith.remsi %jit3A_94, %jit3A_95 : i32
    %ne3A_113 = arith.constant 0 : i32
    %ne3A_114 = arith.cmpi ne, %rem3A_112, %ne3A_113 : i32
    %and3A_115 = arith.andi %ne3A_111, %ne3A_114 : i1
    %sub3A_116 = arith.constant 1 : i32
    %sub3A_117 = arith.subi %div3A_96, %sub3A_116 : i32
    %select_n3A_118 = arith.select %and3A_115, %sub3A_117, %div3A_96 : i32
    %rem3A_119 = arith.constant 2 : i32
    %rem3A_120 = arith.remsi %select_n3A_118, %rem3A_119 : i32
    %mul3A_121 = arith.constant 8 : i32
    %mul3A_122 = arith.muli %rem3A_120, %mul3A_121 : i32
    %rem3A_123 = arith.constant 1 : i32
    %rem3A_124 = arith.constant 8 : i32
    %rem3A_125 = arith.remsi %rem3A_123, %rem3A_124 : i32
    %add3A_126 = arith.addi %mul3A_122, %rem3A_125 : i32
    %mul3A_127 = arith.constant 1 : i32
    %mul3A_128 = arith.constant 128 : i32
    %mul3A_129 = arith.muli %mul3A_127, %mul3A_128 : i32
    %dma_start3A_130 = arith.constant 0 : i32
    %dma_start3A_131 = tpu.memref_slice %arg6[%mul3A_129, %dma_start3A_130] : memref<512x64xf32, #tpu.memory_space<vmem>> -> memref<128x64xf32, #tpu.memory_space<vmem>>
    %dma_start3A_132 = arith.constant 0 : i32
    %dma_start3A_133 = tpu.memref_slice %arg5[%add3A_126, %dma_start3A_132] : memref<16x128xi32, #tpu.memory_space<vmem>> -> memref<1x128xi32, #tpu.memory_space<vmem>>
    %dma_start3A_134 = tpu.memref_squeeze %dma_start3A_133 : memref<1x128xi32, #tpu.memory_space<vmem>> -> memref<128xi32, #tpu.memory_space<vmem>>
    %dma_start3A_135 = arith.constant 0 : i32
    %dma_start3A_136 = arith.constant 0 : i32
    %dma_start3A_137 = tpu.memref_slice %arg3[%dma_start3A_135, %dma_start3A_136] : memref<102400x64xf32, #tpu.memory_space<hbm>> -> memref<102400x64xf32, #tpu.memory_space<hbm>>
    tpu.enqueue_indirect_dma source(%dma_start3A_137 : memref<102400x64xf32, #tpu.memory_space<hbm>>) target(%dma_start3A_131 : memref<128x64xf32, #tpu.memory_space<vmem>>) offsets(%dma_start3A_134 : memref<128xi32, #tpu.memory_space<vmem>>) semaphore(%arg8 : memref<!tpu.dma_semaphore, #tpu.memory_space<semaphore_mem>>)
    %jit3A_138 = arith.constant 2 : i32
    %jit3A_139 = arith.constant 8 : i32
    %div3A_140 = arith.divsi %jit3A_138, %jit3A_139 : i32
    %sign3A_141 = arith.constant 0 : i32
    %sign3A_142 = arith.cmpi sgt, %jit3A_138, %sign3A_141 : i32
    %sign3A_143 = arith.extui %sign3A_142 : i1 to i32
    %sign3A_144 = arith.constant 0 : i32
    %sign3A_145 = arith.cmpi slt, %jit3A_138, %sign3A_144 : i32
    %sign3A_146 = arith.extui %sign3A_145 : i1 to i32
    %sign3A_147 = arith.subi %sign3A_143, %sign3A_146 : i32
    %sign3A_148 = arith.constant 0 : i32
    %sign3A_149 = arith.cmpi sgt, %jit3A_139, %sign3A_148 : i32
    %sign3A_150 = arith.extui %sign3A_149 : i1 to i32
    %sign3A_151 = arith.constant 0 : i32
    %sign3A_152 = arith.cmpi slt, %jit3A_139, %sign3A_151 : i32
    %sign3A_153 = arith.extui %sign3A_152 : i1 to i32
    %sign3A_154 = arith.subi %sign3A_150, %sign3A_153 : i32
    %ne3A_155 = arith.cmpi ne, %sign3A_147, %sign3A_154 : i32
    %rem3A_156 = arith.remsi %jit3A_138, %jit3A_139 : i32
    %ne3A_157 = arith.constant 0 : i32
    %ne3A_158 = arith.cmpi ne, %rem3A_156, %ne3A_157 : i32
    %and3A_159 = arith.andi %ne3A_155, %ne3A_158 : i1
    %sub3A_160 = arith.constant 1 : i32
    %sub3A_161 = arith.subi %div3A_140, %sub3A_160 : i32
    %select_n3A_162 = arith.select %and3A_159, %sub3A_161, %div3A_140 : i32
    %rem3A_163 = arith.constant 2 : i32
    %rem3A_164 = arith.remsi %select_n3A_162, %rem3A_163 : i32
    %mul3A_165 = arith.constant 8 : i32
    %mul3A_166 = arith.muli %rem3A_164, %mul3A_165 : i32
    %rem3A_167 = arith.constant 2 : i32
    %rem3A_168 = arith.constant 8 : i32
    %rem3A_169 = arith.remsi %rem3A_167, %rem3A_168 : i32
    %add3A_170 = arith.addi %mul3A_166, %rem3A_169 : i32
    %mul3A_171 = arith.constant 2 : i32
    %mul3A_172 = arith.constant 128 : i32
    %mul3A_173 = arith.muli %mul3A_171, %mul3A_172 : i32
    %dma_start3A_174 = arith.constant 0 : i32
    %dma_start3A_175 = tpu.memref_slice %arg6[%mul3A_173, %dma_start3A_174] : memref<512x64xf32, #tpu.memory_space<vmem>> -> memref<128x64xf32, #tpu.memory_space<vmem>>
    %dma_start3A_176 = arith.constant 0 : i32
    %dma_start3A_177 = tpu.memref_slice %arg5[%add3A_170, %dma_start3A_176] : memref<16x128xi32, #tpu.memory_space<vmem>> -> memref<1x128xi32, #tpu.memory_space<vmem>>
    %dma_start3A_178 = tpu.memref_squeeze %dma_start3A_177 : memref<1x128xi32, #tpu.memory_space<vmem>> -> memref<128xi32, #tpu.memory_space<vmem>>
    %dma_start3A_179 = arith.constant 0 : i32
    %dma_start3A_180 = arith.constant 0 : i32
    %dma_start3A_181 = tpu.memref_slice %arg3[%dma_start3A_179, %dma_start3A_180] : memref<102400x64xf32, #tpu.memory_space<hbm>> -> memref<102400x64xf32, #tpu.memory_space<hbm>>
    tpu.enqueue_indirect_dma source(%dma_start3A_181 : memref<102400x64xf32, #tpu.memory_space<hbm>>) target(%dma_start3A_175 : memref<128x64xf32, #tpu.memory_space<vmem>>) offsets(%dma_start3A_178 : memref<128xi32, #tpu.memory_space<vmem>>) semaphore(%arg8 : memref<!tpu.dma_semaphore, #tpu.memory_space<semaphore_mem>>)
    %scan3A = arith.constant 0 : i32
    %scan3A_182 = arith.constant 100 : i32
    %scan3A_183 = arith.addi %scan3A, %scan3A_182 : i32
    %scan3A_184 = arith.constant 1 : i32
    scf.for %scan3A_234 = %scan3A to %scan3A_183 step %scan3A_184  : i32 {
      %mul3A_235 = arith.constant 1 : i32
      %mul3A_236 = arith.muli %scan3A_234, %mul3A_235 : i32
      %add3A_237 = arith.constant 0 : i32
      %add3A_238 = arith.addi %add3A_237, %mul3A_236 : i32
      %add3A_239 = arith.constant 1 : i32
      %add3A_240 = arith.addi %add3A_238, %add3A_239 : i32
      %lt3A = arith.constant 100 : i32
      %lt3A_241 = arith.cmpi slt, %add3A_240, %lt3A : i32
      %convert_element_type3A = arith.extui %lt3A_241 : i1 to i32
      %cond3A = arith.constant 0 : i32
      %cond3A_242 = arith.cmpi ne, %convert_element_type3A, %cond3A : i32
      scf.if %cond3A_242 {
        %add3A_279 = arith.constant 1 : i32
        %add3A_280 = arith.addi %add3A_238, %add3A_279 : i32
        %mul3A_281 = arith.constant 4 : i32
        %mul3A_282 = arith.muli %add3A, %mul3A_281 : i32
        %jit3A_283 = arith.constant 25 : i32
        %div3A_284 = arith.divsi %add3A_280, %jit3A_283 : i32
        %sign3A_285 = arith.constant 0 : i32
        %sign3A_286 = arith.cmpi sgt, %add3A_280, %sign3A_285 : i32
        %sign3A_287 = arith.extui %sign3A_286 : i1 to i32
        %sign3A_288 = arith.constant 0 : i32
        %sign3A_289 = arith.cmpi slt, %add3A_280, %sign3A_288 : i32
        %sign3A_290 = arith.extui %sign3A_289 : i1 to i32
        %sign3A_291 = arith.subi %sign3A_287, %sign3A_290 : i32
        %sign3A_292 = arith.constant 0 : i32
        %sign3A_293 = arith.cmpi sgt, %jit3A_283, %sign3A_292 : i32
        %sign3A_294 = arith.extui %sign3A_293 : i1 to i32
        %sign3A_295 = arith.constant 0 : i32
        %sign3A_296 = arith.cmpi slt, %jit3A_283, %sign3A_295 : i32
        %sign3A_297 = arith.extui %sign3A_296 : i1 to i32
        %sign3A_298 = arith.subi %sign3A_294, %sign3A_297 : i32
        %ne3A_299 = arith.cmpi ne, %sign3A_291, %sign3A_298 : i32
        %rem3A_300 = arith.remsi %add3A_280, %jit3A_283 : i32
        %ne3A_301 = arith.constant 0 : i32
        %ne3A_302 = arith.cmpi ne, %rem3A_300, %ne3A_301 : i32
        %and3A_303 = arith.andi %ne3A_299, %ne3A_302 : i1
        %sub3A_304 = arith.constant 1 : i32
        %sub3A_305 = arith.subi %div3A_284, %sub3A_304 : i32
        %select_n3A_306 = arith.select %and3A_303, %sub3A_305, %div3A_284 : i32
        %add3A_307 = arith.addi %mul3A_282, %select_n3A_306 : i32
        %mul3A_308 = arith.constant 128 : i32
        %mul3A_309 = arith.muli %add3A_307, %mul3A_308 : i32
        %rem3A_310 = arith.constant 25 : i32
        %rem3A_311 = arith.remsi %add3A_280, %rem3A_310 : i32
        %mul3A_312 = arith.constant 8 : i32
        %mul3A_313 = arith.muli %rem3A_311, %mul3A_312 : i32
        %rem3A_314 = arith.constant 2 : i32
        %rem3A_315 = arith.remsi %add3A_280, %rem3A_314 : i32
        %mul3A_316 = arith.constant 8 : i32
        %mul3A_317 = arith.muli %rem3A_315, %mul3A_316 : i32
        %dma_start3A_318 = arith.constant 0 : i32
        %dma_start3A_319 = tpu.memref_slice %arg5[%mul3A_317, %dma_start3A_318] : memref<16x128xi32, #tpu.memory_space<vmem>> -> memref<8x128xi32, #tpu.memory_space<vmem>>
        %dma_start3A_320 = tpu.memref_slice %arg2[%mul3A_313, %mul3A_309] : memref<200x16384xi32, #tpu.memory_space<hbm>> -> memref<8x128xi32, #tpu.memory_space<hbm>>
        %dma_start3A_321 = arith.constant 0 : i32
        %dma_start3A_322 = tpu.memref_slice %arg5[%mul3A_317, %dma_start3A_321] : memref<16x128xi32, #tpu.memory_space<vmem>> -> memref<8x128xi32, #tpu.memory_space<vmem>>
        %dma_start3A_323 = tpu.memref_slice %arg2[%mul3A_313, %mul3A_309] : memref<200x16384xi32, #tpu.memory_space<hbm>> -> memref<8x128xi32, #tpu.memory_space<hbm>>
        tpu.enqueue_dma source(%dma_start3A_323 : memref<8x128xi32, #tpu.memory_space<hbm>>) target(%dma_start3A_322 : memref<8x128xi32, #tpu.memory_space<vmem>>) target_semaphore(%arg11 : memref<!tpu.dma_semaphore, #tpu.memory_space<semaphore_mem>>)
      } else {
      }
      %mul3A_243 = arith.constant 4 : i32
      %mul3A_244 = arith.muli %add3A, %mul3A_243 : i32
      %jit3A_245 = arith.constant 25 : i32
      %div3A_246 = arith.divsi %add3A_238, %jit3A_245 : i32
      %sign3A_247 = arith.constant 0 : i32
      %sign3A_248 = arith.cmpi sgt, %add3A_238, %sign3A_247 : i32
      %sign3A_249 = arith.extui %sign3A_248 : i1 to i32
      %sign3A_250 = arith.constant 0 : i32
      %sign3A_251 = arith.cmpi slt, %add3A_238, %sign3A_250 : i32
      %sign3A_252 = arith.extui %sign3A_251 : i1 to i32
      %sign3A_253 = arith.subi %sign3A_249, %sign3A_252 : i32
      %sign3A_254 = arith.constant 0 : i32
      %sign3A_255 = arith.cmpi sgt, %jit3A_245, %sign3A_254 : i32
      %sign3A_256 = arith.extui %sign3A_255 : i1 to i32
      %sign3A_257 = arith.constant 0 : i32
      %sign3A_258 = arith.cmpi slt, %jit3A_245, %sign3A_257 : i32
      %sign3A_259 = arith.extui %sign3A_258 : i1 to i32
      %sign3A_260 = arith.subi %sign3A_256, %sign3A_259 : i32
      %ne3A_261 = arith.cmpi ne, %sign3A_253, %sign3A_260 : i32
      %rem3A_262 = arith.remsi %add3A_238, %jit3A_245 : i32
      %ne3A_263 = arith.constant 0 : i32
      %ne3A_264 = arith.cmpi ne, %rem3A_262, %ne3A_263 : i32
      %and3A_265 = arith.andi %ne3A_261, %ne3A_264 : i1
      %sub3A_266 = arith.constant 1 : i32
      %sub3A_267 = arith.subi %div3A_246, %sub3A_266 : i32
      %select_n3A_268 = arith.select %and3A_265, %sub3A_267, %div3A_246 : i32
      %add3A_269 = arith.addi %mul3A_244, %select_n3A_268 : i32
      %rem3A_270 = arith.constant 25 : i32
      %rem3A_271 = arith.remsi %add3A_238, %rem3A_270 : i32
      %mul3A_272 = arith.constant 8 : i32
      %mul3A_273 = arith.muli %rem3A_271, %mul3A_272 : i32
      %scan3A_274 = arith.constant 0 : i32
      %scan3A_275 = arith.constant 8 : i32
      %scan3A_276 = arith.addi %scan3A_274, %scan3A_275 : i32
      %scan3A_277 = arith.constant 1 : i32
      scf.for %scan3A_279 = %scan3A_274 to %scan3A_276 step %scan3A_277  : i32 {
        %mul3A_280 = arith.constant 1 : i32
        %mul3A_281 = arith.muli %scan3A_279, %mul3A_280 : i32
        %add3A_282 = arith.constant 0 : i32
        %add3A_283 = arith.addi %add3A_282, %mul3A_281 : i32
        %mul3A_284 = arith.constant 8 : i32
        %mul3A_285 = arith.muli %add3A_238, %mul3A_284 : i32
        %add3A_286 = arith.addi %mul3A_285, %add3A_283 : i32
        %rem3A_287 = arith.constant 2 : i32
        %rem3A_288 = arith.remsi %add3A_283, %rem3A_287 : i32
        %dma_wait3A_289 = arith.constant 0 : i32
        %dma_wait3A_290 = arith.constant 0 : i32
        %dma_wait3A_291 = tpu.memref_slice %arg6[%dma_wait3A_289, %dma_wait3A_290] : memref<512x64xf32, #tpu.memory_space<vmem>> -> memref<128x64xf32, #tpu.memory_space<vmem>>
        %dma_wait3A_292 = arith.constant 0 : i32
        %dma_wait3A_293 = arith.constant 0 : i32
        %dma_wait3A_294 = tpu.memref_slice %arg3[%dma_wait3A_292, %dma_wait3A_293] : memref<102400x64xf32, #tpu.memory_space<hbm>> -> memref<128x64xf32, #tpu.memory_space<hbm>>
        %dma_wait3A_295 = arith.constant 0 : i32
        %dma_wait3A_296 = arith.constant 0 : i32
        %dma_wait3A_297 = tpu.memref_slice %arg6[%dma_wait3A_295, %dma_wait3A_296] : memref<512x64xf32, #tpu.memory_space<vmem>> -> memref<128x64xf32, #tpu.memory_space<vmem>>
        %dma_wait3A_298 = arith.constant 0 : i32
        %dma_wait3A_299 = arith.constant 0 : i32
        %dma_wait3A_300 = tpu.memref_slice %arg3[%dma_wait3A_298, %dma_wait3A_299] : memref<102400x64xf32, #tpu.memory_space<hbm>> -> memref<128x64xf32, #tpu.memory_space<hbm>>
        tpu.wait_dma2 semaphore(%arg8 : memref<!tpu.dma_semaphore, #tpu.memory_space<semaphore_mem>>) src(%dma_wait3A_300 : memref<128x64xf32, #tpu.memory_space<hbm>>) dst(%dma_wait3A_297 : memref<128x64xf32, #tpu.memory_space<vmem>>)
        %eq3A = arith.constant 5 : i32
        %eq3A_301 = arith.cmpi eq, %add3A_283, %eq3A : i32
        %add3A_302 = arith.constant 1 : i32
        %add3A_303 = arith.addi %add3A_238, %add3A_302 : i32
        %lt3A_304 = arith.constant 100 : i32
        %lt3A_305 = arith.cmpi slt, %add3A_303, %lt3A_304 : i32
        %and3A_306 = arith.andi %eq3A_301, %lt3A_305 : i1
        %convert_element_type3A_307 = arith.extui %and3A_306 : i1 to i32
        %cond3A_308 = arith.constant 0 : i32
        %cond3A_309 = arith.cmpi ne, %convert_element_type3A_307, %cond3A_308 : i32
        scf.if %cond3A_309 {
          %dma_wait3A_430 = arith.constant 0 : i32
          %dma_wait3A_431 = arith.constant 0 : i32
          %dma_wait3A_432 = tpu.memref_slice %arg5[%dma_wait3A_430, %dma_wait3A_431] : memref<16x128xi32, #tpu.memory_space<vmem>> -> memref<8x128xi32, #tpu.memory_space<vmem>>
          %dma_wait3A_433 = arith.constant 0 : i32
          %dma_wait3A_434 = arith.constant 0 : i32
          %dma_wait3A_435 = tpu.memref_slice %arg2[%dma_wait3A_433, %dma_wait3A_434] : memref<200x16384xi32, #tpu.memory_space<hbm>> -> memref<8x128xi32, #tpu.memory_space<hbm>>
          %dma_wait3A_436 = arith.constant 0 : i32
          %dma_wait3A_437 = arith.constant 0 : i32
          %dma_wait3A_438 = tpu.memref_slice %arg5[%dma_wait3A_436, %dma_wait3A_437] : memref<16x128xi32, #tpu.memory_space<vmem>> -> memref<8x128xi32, #tpu.memory_space<vmem>>
          %dma_wait3A_439 = arith.constant 0 : i32
          %dma_wait3A_440 = arith.constant 0 : i32
          %dma_wait3A_441 = tpu.memref_slice %arg2[%dma_wait3A_439, %dma_wait3A_440] : memref<200x16384xi32, #tpu.memory_space<hbm>> -> memref<8x128xi32, #tpu.memory_space<hbm>>
          tpu.wait_dma2 semaphore(%arg11 : memref<!tpu.dma_semaphore, #tpu.memory_space<semaphore_mem>>) src(%dma_wait3A_441 : memref<8x128xi32, #tpu.memory_space<hbm>>) dst(%dma_wait3A_438 : memref<8x128xi32, #tpu.memory_space<vmem>>)
        } else {
        }
        %add3A_310 = arith.constant 3 : i32
        %add3A_311 = arith.addi %add3A_286, %add3A_310 : i32
        %lt3A_312 = arith.constant 800 : i32
        %lt3A_313 = arith.cmpi slt, %add3A_311, %lt3A_312 : i32
        %convert_element_type3A_314 = arith.extui %lt3A_313 : i1 to i32
        %cond3A_315 = arith.constant 0 : i32
        %cond3A_316 = arith.cmpi ne, %convert_element_type3A_314, %cond3A_315 : i32
        scf.if %cond3A_316 {
          %add3A_430 = arith.constant 3 : i32
          %add3A_431 = arith.addi %add3A_286, %add3A_430 : i32
          %add3A_432 = arith.constant 3 : i32
          %add3A_433 = arith.addi %add3A_283, %add3A_432 : i32
          %rem3A_434 = arith.constant 4 : i32
          %rem3A_435 = arith.remsi %add3A_433, %rem3A_434 : i32
          %jit3A_436 = arith.constant 8 : i32
          %div3A_437 = arith.divsi %add3A_431, %jit3A_436 : i32
          %sign3A_438 = arith.constant 0 : i32
          %sign3A_439 = arith.cmpi sgt, %add3A_431, %sign3A_438 : i32
          %sign3A_440 = arith.extui %sign3A_439 : i1 to i32
          %sign3A_441 = arith.constant 0 : i32
          %sign3A_442 = arith.cmpi slt, %add3A_431, %sign3A_441 : i32
          %sign3A_443 = arith.extui %sign3A_442 : i1 to i32
          %sign3A_444 = arith.subi %sign3A_440, %sign3A_443 : i32
          %sign3A_445 = arith.constant 0 : i32
          %sign3A_446 = arith.cmpi sgt, %jit3A_436, %sign3A_445 : i32
          %sign3A_447 = arith.extui %sign3A_446 : i1 to i32
          %sign3A_448 = arith.constant 0 : i32
          %sign3A_449 = arith.cmpi slt, %jit3A_436, %sign3A_448 : i32
          %sign3A_450 = arith.extui %sign3A_449 : i1 to i32
          %sign3A_451 = arith.subi %sign3A_447, %sign3A_450 : i32
          %ne3A_452 = arith.cmpi ne, %sign3A_444, %sign3A_451 : i32
          %rem3A_453 = arith.remsi %add3A_431, %jit3A_436 : i32
          %ne3A_454 = arith.constant 0 : i32
          %ne3A_455 = arith.cmpi ne, %rem3A_453, %ne3A_454 : i32
          %and3A_456 = arith.andi %ne3A_452, %ne3A_455 : i1
          %sub3A_457 = arith.constant 1 : i32
          %sub3A_458 = arith.subi %div3A_437, %sub3A_457 : i32
          %select_n3A_459 = arith.select %and3A_456, %sub3A_458, %div3A_437 : i32
          %rem3A_460 = arith.constant 2 : i32
          %rem3A_461 = arith.remsi %select_n3A_459, %rem3A_460 : i32
          %mul3A_462 = arith.constant 8 : i32
          %mul3A_463 = arith.muli %rem3A_461, %mul3A_462 : i32
          %rem3A_464 = arith.constant 8 : i32
          %rem3A_465 = arith.remsi %add3A_431, %rem3A_464 : i32
          %add3A_466 = arith.addi %mul3A_463, %rem3A_465 : i32
          %mul3A_467 = arith.constant 128 : i32
          %mul3A_468 = arith.muli %rem3A_435, %mul3A_467 : i32
          %dma_start3A_469 = arith.constant 0 : i32
          %dma_start3A_470 = tpu.memref_slice %arg6[%mul3A_468, %dma_start3A_469] : memref<512x64xf32, #tpu.memory_space<vmem>> -> memref<128x64xf32, #tpu.memory_space<vmem>>
          %dma_start3A_471 = arith.constant 0 : i32
          %dma_start3A_472 = tpu.memref_slice %arg5[%add3A_466, %dma_start3A_471] : memref<16x128xi32, #tpu.memory_space<vmem>> -> memref<1x128xi32, #tpu.memory_space<vmem>>
          %dma_start3A_473 = tpu.memref_squeeze %dma_start3A_472 : memref<1x128xi32, #tpu.memory_space<vmem>> -> memref<128xi32, #tpu.memory_space<vmem>>
          %dma_start3A_474 = arith.constant 0 : i32
          %dma_start3A_475 = arith.constant 0 : i32
          %dma_start3A_476 = tpu.memref_slice %arg3[%dma_start3A_474, %dma_start3A_475] : memref<102400x64xf32, #tpu.memory_space<hbm>> -> memref<102400x64xf32, #tpu.memory_space<hbm>>
          tpu.enqueue_indirect_dma source(%dma_start3A_476 : memref<102400x64xf32, #tpu.memory_space<hbm>>) target(%dma_start3A_470 : memref<128x64xf32, #tpu.memory_space<vmem>>) offsets(%dma_start3A_473 : memref<128xi32, #tpu.memory_space<vmem>>) semaphore(%arg8 : memref<!tpu.dma_semaphore, #tpu.memory_space<semaphore_mem>>)
        } else {
        }
        %ge3A = arith.constant 2 : i32
        %ge3A_317 = arith.cmpi sge, %add3A_286, %ge3A : i32
        %eq3A_318 = arith.constant 0 : i32
        %eq3A_319 = arith.cmpi eq, %rem3A_288, %eq3A_318 : i32
        %and3A_320 = arith.andi %ge3A_317, %eq3A_319 : i1
        %convert_element_type3A_321 = arith.extui %and3A_320 : i1 to i32
        %cond3A_322 = arith.constant 0 : i32
        %cond3A_323 = arith.cmpi ne, %convert_element_type3A_321, %cond3A_322 : i32
        scf.if %cond3A_323 {
          %dma_wait3A_430 = arith.constant 0 : i32
          %dma_wait3A_431 = arith.constant 0 : i32
          %dma_wait3A_432 = arith.constant 0 : i32
          %dma_wait3A_433 = arith.constant 0 : i32
          %dma_wait3A_434 = arith.constant 0 : i32
          %dma_wait3A_435 = tpu.memref_slice %arg7[%dma_wait3A_430, %dma_wait3A_431, %dma_wait3A_432, %dma_wait3A_433, %dma_wait3A_434] : memref<2x8x1x8x128xf32, #tpu.memory_space<vmem>> -> memref<1x8x1x8x128xf32, #tpu.memory_space<vmem>>
          %dma_wait3A_436 = arith.constant 0 : i32
          %dma_wait3A_437 = arith.constant 0 : i32
          %dma_wait3A_438 = arith.constant 0 : i32
          %dma_wait3A_439 = arith.constant 0 : i32
          %dma_wait3A_440 = arith.constant 0 : i32
          %dma_wait3A_441 = tpu.memref_slice %arg4[%dma_wait3A_436, %dma_wait3A_437, %dma_wait3A_438, %dma_wait3A_439, %dma_wait3A_440] : memref<200x8x128x8x128xf32, #tpu.memory_space<hbm>> -> memref<1x8x1x8x128xf32, #tpu.memory_space<hbm>>
          %dma_wait3A_442 = arith.constant 0 : i32
          %dma_wait3A_443 = arith.constant 0 : i32
          %dma_wait3A_444 = arith.constant 0 : i32
          %dma_wait3A_445 = arith.constant 0 : i32
          %dma_wait3A_446 = arith.constant 0 : i32
          %dma_wait3A_447 = tpu.memref_slice %arg4[%dma_wait3A_442, %dma_wait3A_443, %dma_wait3A_444, %dma_wait3A_445, %dma_wait3A_446] : memref<200x8x128x8x128xf32, #tpu.memory_space<hbm>> -> memref<1x8x1x8x128xf32, #tpu.memory_space<hbm>>
          %dma_wait3A_448 = arith.constant 0 : i32
          %dma_wait3A_449 = arith.constant 0 : i32
          %dma_wait3A_450 = arith.constant 0 : i32
          %dma_wait3A_451 = arith.constant 0 : i32
          %dma_wait3A_452 = arith.constant 0 : i32
          %dma_wait3A_453 = tpu.memref_slice %arg7[%dma_wait3A_448, %dma_wait3A_449, %dma_wait3A_450, %dma_wait3A_451, %dma_wait3A_452] : memref<2x8x1x8x128xf32, #tpu.memory_space<vmem>> -> memref<1x8x1x8x128xf32, #tpu.memory_space<vmem>>
          tpu.wait_dma2 semaphore(%arg9 : memref<!tpu.dma_semaphore, #tpu.memory_space<semaphore_mem>>) src(%dma_wait3A_453 : memref<1x8x1x8x128xf32, #tpu.memory_space<vmem>>) dst(%dma_wait3A_447 : memref<1x8x1x8x128xf32, #tpu.memory_space<hbm>>)
        } else {
        }
        %ge3A_324 = arith.constant 2 : i32
        %ge3A_325 = arith.cmpi sge, %add3A_286, %ge3A_324 : i32
        %eq3A_326 = arith.constant 1 : i32
        %eq3A_327 = arith.cmpi eq, %rem3A_288, %eq3A_326 : i32
        %and3A_328 = arith.andi %ge3A_325, %eq3A_327 : i1
        %convert_element_type3A_329 = arith.extui %and3A_328 : i1 to i32
        %cond3A_330 = arith.constant 0 : i32
        %cond3A_331 = arith.cmpi ne, %convert_element_type3A_329, %cond3A_330 : i32
        scf.if %cond3A_331 {
          %dma_wait3A_430 = arith.constant 0 : i32
          %dma_wait3A_431 = arith.constant 0 : i32
          %dma_wait3A_432 = arith.constant 0 : i32
          %dma_wait3A_433 = arith.constant 0 : i32
          %dma_wait3A_434 = arith.constant 0 : i32
          %dma_wait3A_435 = tpu.memref_slice %arg7[%dma_wait3A_430, %dma_wait3A_431, %dma_wait3A_432, %dma_wait3A_433, %dma_wait3A_434] : memref<2x8x1x8x128xf32, #tpu.memory_space<vmem>> -> memref<1x8x1x8x128xf32, #tpu.memory_space<vmem>>
          %dma_wait3A_436 = arith.constant 0 : i32
          %dma_wait3A_437 = arith.constant 0 : i32
          %dma_wait3A_438 = arith.constant 0 : i32
          %dma_wait3A_439 = arith.constant 0 : i32
          %dma_wait3A_440 = arith.constant 0 : i32
          %dma_wait3A_441 = tpu.memref_slice %arg4[%dma_wait3A_436, %dma_wait3A_437, %dma_wait3A_438, %dma_wait3A_439, %dma_wait3A_440] : memref<200x8x128x8x128xf32, #tpu.memory_space<hbm>> -> memref<1x8x1x8x128xf32, #tpu.memory_space<hbm>>
          %dma_wait3A_442 = arith.constant 0 : i32
          %dma_wait3A_443 = arith.constant 0 : i32
          %dma_wait3A_444 = arith.constant 0 : i32
          %dma_wait3A_445 = arith.constant 0 : i32
          %dma_wait3A_446 = arith.constant 0 : i32
          %dma_wait3A_447 = tpu.memref_slice %arg4[%dma_wait3A_442, %dma_wait3A_443, %dma_wait3A_444, %dma_wait3A_445, %dma_wait3A_446] : memref<200x8x128x8x128xf32, #tpu.memory_space<hbm>> -> memref<1x8x1x8x128xf32, #tpu.memory_space<hbm>>
          %dma_wait3A_448 = arith.constant 0 : i32
          %dma_wait3A_449 = arith.constant 0 : i32
          %dma_wait3A_450 = arith.constant 0 : i32
          %dma_wait3A_451 = arith.constant 0 : i32
          %dma_wait3A_452 = arith.constant 0 : i32
          %dma_wait3A_453 = tpu.memref_slice %arg7[%dma_wait3A_448, %dma_wait3A_449, %dma_wait3A_450, %dma_wait3A_451, %dma_wait3A_452] : memref<2x8x1x8x128xf32, #tpu.memory_space<vmem>> -> memref<1x8x1x8x128xf32, #tpu.memory_space<vmem>>
          tpu.wait_dma2 semaphore(%arg10 : memref<!tpu.dma_semaphore, #tpu.memory_space<semaphore_mem>>) src(%dma_wait3A_453 : memref<1x8x1x8x128xf32, #tpu.memory_space<vmem>>) dst(%dma_wait3A_447 : memref<1x8x1x8x128xf32, #tpu.memory_space<hbm>>)
        } else {
        }
        %rem3A_332 = arith.constant 4 : i32
        %rem3A_333 = arith.remsi %add3A_283, %rem3A_332 : i32
        %mul3A_334 = arith.constant 128 : i32
        %mul3A_335 = arith.muli %rem3A_333, %mul3A_334 : i32
        %broadcast_in_dim3A_336 = vector.broadcast %rem3A_288 : i32 to vector<16xi32>
        %add3A_337 = arith.constant 0 : i32
        %add3A_338 = arith.addi %mul3A_335, %add3A_337 : i32
        %add3A_339 = vector.broadcast %add3A_338 : i32 to vector<16xi32>
        %add3A_340 = arith.addi %add3A_339, %iota3A : vector<16xi32>
        %mul3A_341 = arith.constant 64 : i32
        %mul3A_342 = vector.broadcast %mul3A_341 : i32 to vector<16xi32>
        %mul3A_343 = arith.muli %add3A_340, %mul3A_342 : vector<16xi32>
        %add3A_344 = arith.constant 16 : i32
        %add3A_345 = arith.addi %mul3A_335, %add3A_344 : i32
        %add3A_346 = vector.broadcast %add3A_345 : i32 to vector<16xi32>
        %add3A_347 = arith.addi %add3A_346, %iota3A : vector<16xi32>
        %mul3A_348 = arith.constant 64 : i32
        %mul3A_349 = vector.broadcast %mul3A_348 : i32 to vector<16xi32>
        %mul3A_350 = arith.muli %add3A_347, %mul3A_349 : vector<16xi32>
        %add3A_351 = arith.constant 32 : i32
        %add3A_352 = arith.addi %mul3A_335, %add3A_351 : i32
        %add3A_353 = vector.broadcast %add3A_352 : i32 to vector<16xi32>
        %add3A_354 = arith.addi %add3A_353, %iota3A : vector<16xi32>
        %mul3A_355 = arith.constant 64 : i32
        %mul3A_356 = vector.broadcast %mul3A_355 : i32 to vector<16xi32>
        %mul3A_357 = arith.muli %add3A_354, %mul3A_356 : vector<16xi32>
        %add3A_358 = arith.constant 48 : i32
        %add3A_359 = arith.addi %mul3A_335, %add3A_358 : i32
        %add3A_360 = vector.broadcast %add3A_359 : i32 to vector<16xi32>
        %add3A_361 = arith.addi %add3A_360, %iota3A : vector<16xi32>
        %mul3A_362 = arith.constant 64 : i32
        %mul3A_363 = vector.broadcast %mul3A_362 : i32 to vector<16xi32>
        %mul3A_364 = arith.muli %add3A_361, %mul3A_363 : vector<16xi32>
        %add3A_365 = arith.constant 64 : i32
        %add3A_366 = arith.addi %mul3A_335, %add3A_365 : i32
        %add3A_367 = vector.broadcast %add3A_366 : i32 to vector<16xi32>
        %add3A_368 = arith.addi %add3A_367, %iota3A : vector<16xi32>
        %mul3A_369 = arith.constant 64 : i32
        %mul3A_370 = vector.broadcast %mul3A_369 : i32 to vector<16xi32>
        %mul3A_371 = arith.muli %add3A_368, %mul3A_370 : vector<16xi32>
        %add3A_372 = arith.constant 80 : i32
        %add3A_373 = arith.addi %mul3A_335, %add3A_372 : i32
        %add3A_374 = vector.broadcast %add3A_373 : i32 to vector<16xi32>
        %add3A_375 = arith.addi %add3A_374, %iota3A : vector<16xi32>
        %mul3A_376 = arith.constant 64 : i32
        %mul3A_377 = vector.broadcast %mul3A_376 : i32 to vector<16xi32>
        %mul3A_378 = arith.muli %add3A_375, %mul3A_377 : vector<16xi32>
        %add3A_379 = arith.constant 96 : i32
        %add3A_380 = arith.addi %mul3A_335, %add3A_379 : i32
        %add3A_381 = vector.broadcast %add3A_380 : i32 to vector<16xi32>
        %add3A_382 = arith.addi %add3A_381, %iota3A : vector<16xi32>
        %mul3A_383 = arith.constant 64 : i32
        %mul3A_384 = vector.broadcast %mul3A_383 : i32 to vector<16xi32>
        %mul3A_385 = arith.muli %add3A_382, %mul3A_384 : vector<16xi32>
        %add3A_386 = arith.constant 112 : i32
        %add3A_387 = arith.addi %mul3A_335, %add3A_386 : i32
        %add3A_388 = vector.broadcast %add3A_387 : i32 to vector<16xi32>
        %add3A_389 = arith.addi %add3A_388, %iota3A : vector<16xi32>
        %mul3A_390 = arith.constant 64 : i32
        %mul3A_391 = vector.broadcast %mul3A_390 : i32 to vector<16xi32>
        %mul3A_392 = arith.muli %add3A_389, %mul3A_391 : vector<16xi32>
        %add3A_393 = arith.constant 0 : i32
        %add3A_394 = vector.broadcast %add3A_393 : i32 to vector<16xi32>
        %add3A_395 = arith.addi %add3A_394, %iota3A : vector<16xi32>
        %add3A_396 = arith.constant 16 : i32
        %add3A_397 = vector.broadcast %add3A_396 : i32 to vector<16xi32>
        %add3A_398 = arith.addi %add3A_397, %iota3A : vector<16xi32>
        %add3A_399 = arith.constant 32 : i32
        %add3A_400 = vector.broadcast %add3A_399 : i32 to vector<16xi32>
        %add3A_401 = arith.addi %add3A_400, %iota3A : vector<16xi32>
        %add3A_402 = arith.constant 48 : i32
        %add3A_403 = vector.broadcast %add3A_402 : i32 to vector<16xi32>
        %add3A_404 = arith.addi %add3A_403, %iota3A : vector<16xi32>
        %add3A_405 = arith.constant 64 : i32
        %add3A_406 = vector.broadcast %add3A_405 : i32 to vector<16xi32>
        %add3A_407 = arith.addi %add3A_406, %iota3A : vector<16xi32>
        %add3A_408 = arith.constant 80 : i32
        %add3A_409 = vector.broadcast %add3A_408 : i32 to vector<16xi32>
        %add3A_410 = arith.addi %add3A_409, %iota3A : vector<16xi32>
        %add3A_411 = arith.constant 96 : i32
        %add3A_412 = vector.broadcast %add3A_411 : i32 to vector<16xi32>
        %add3A_413 = arith.addi %add3A_412, %iota3A : vector<16xi32>
        %add3A_414 = arith.constant 112 : i32
        %add3A_415 = vector.broadcast %add3A_414 : i32 to vector<16xi32>
        %add3A_416 = arith.addi %add3A_415, %iota3A : vector<16xi32>
        %parallel_loop3A = arith.constant 0 : i32
        %parallel_loop3A_417 = arith.constant 64 : i32
        %parallel_loop3A_418 = arith.constant 1 : i32
        scf.for %parallel_loop3A_430 = %parallel_loop3A to %parallel_loop3A_417 step %parallel_loop3A_418  : i32 {
          %parallel_loop3A_431 = vector.broadcast %parallel_loop3A_430 : i32 to vector<16xi32>
          %parallel_loop3A_432 = arith.addi %parallel_loop3A_431, %iota3A : vector<16xi32>
          %parallel_loop3A_433 = arith.constant 63 : i32
          %parallel_loop3A_434 = vector.broadcast %parallel_loop3A_433 : i32 to vector<16xi32>
          %parallel_loop3A_435 = arith.andi %parallel_loop3A_432, %parallel_loop3A_434 : vector<16xi32>
          %parallel_loop3A_436 = arith.constant 3 : i32
          %parallel_loop3A_437 = vector.broadcast %parallel_loop3A_436 : i32 to vector<16xi32>
          %parallel_loop3A_438 = arith.shrui %parallel_loop3A_435, %parallel_loop3A_437 : vector<16xi32>
          %parallel_loop3A_439 = arith.constant 7 : i32
          %parallel_loop3A_440 = vector.broadcast %parallel_loop3A_439 : i32 to vector<16xi32>
          %parallel_loop3A_441 = arith.andi %parallel_loop3A_435, %parallel_loop3A_440 : vector<16xi32>
          %parallel_loop3A_442 = arith.addi %mul3A_343, %parallel_loop3A_435 : vector<16xi32>
          %parallel_loop3A_443 = tpu.vector_load_idx %arg6[%broadcast_in_dim3A_1, %parallel_loop3A_442] : memref<512x64xf32, #tpu.memory_space<vmem>>[vector<16xi32>, vector<16xi32>], vector<16xf32>,
          tpu.vector_store_idx %arg7[%broadcast_in_dim3A_336, %parallel_loop3A_438, %broadcast_in_dim3A_1, %parallel_loop3A_441, %add3A_395], %parallel_loop3A_443 : memref<2x8x1x8x128xf32, #tpu.memory_space<vmem>>[vector<16xi32>, vector<16xi32>, vector<16xi32>, vector<16xi32>, vector<16xi32>], vector<16xf32>,
          %parallel_loop3A_444 = arith.addi %mul3A_350, %parallel_loop3A_435 : vector<16xi32>
          %parallel_loop3A_445 = tpu.vector_load_idx %arg6[%broadcast_in_dim3A_1, %parallel_loop3A_444] : memref<512x64xf32, #tpu.memory_space<vmem>>[vector<16xi32>, vector<16xi32>], vector<16xf32>,
          tpu.vector_store_idx %arg7[%broadcast_in_dim3A_336, %parallel_loop3A_438, %broadcast_in_dim3A_1, %parallel_loop3A_441, %add3A_398], %parallel_loop3A_445 : memref<2x8x1x8x128xf32, #tpu.memory_space<vmem>>[vector<16xi32>, vector<16xi32>, vector<16xi32>, vector<16xi32>, vector<16xi32>], vector<16xf32>,
          %parallel_loop3A_446 = arith.addi %mul3A_357, %parallel_loop3A_435 : vector<16xi32>
          %parallel_loop3A_447 = tpu.vector_load_idx %arg6[%broadcast_in_dim3A_1, %parallel_loop3A_446] : memref<512x64xf32, #tpu.memory_space<vmem>>[vector<16xi32>, vector<16xi32>], vector<16xf32>,
          tpu.vector_store_idx %arg7[%broadcast_in_dim3A_336, %parallel_loop3A_438, %broadcast_in_dim3A_1, %parallel_loop3A_441, %add3A_401], %parallel_loop3A_447 : memref<2x8x1x8x128xf32, #tpu.memory_space<vmem>>[vector<16xi32>, vector<16xi32>, vector<16xi32>, vector<16xi32>, vector<16xi32>], vector<16xf32>,
          %parallel_loop3A_448 = arith.addi %mul3A_364, %parallel_loop3A_435 : vector<16xi32>
          %parallel_loop3A_449 = tpu.vector_load_idx %arg6[%broadcast_in_dim3A_1, %parallel_loop3A_448] : memref<512x64xf32, #tpu.memory_space<vmem>>[vector<16xi32>, vector<16xi32>], vector<16xf32>,
          tpu.vector_store_idx %arg7[%broadcast_in_dim3A_336, %parallel_loop3A_438, %broadcast_in_dim3A_1, %parallel_loop3A_441, %add3A_404], %parallel_loop3A_449 : memref<2x8x1x8x128xf32, #tpu.memory_space<vmem>>[vector<16xi32>, vector<16xi32>, vector<16xi32>, vector<16xi32>, vector<16xi32>], vector<16xf32>,
          %parallel_loop3A_450 = arith.addi %mul3A_371, %parallel_loop3A_435 : vector<16xi32>
          %parallel_loop3A_451 = tpu.vector_load_idx %arg6[%broadcast_in_dim3A_1, %parallel_loop3A_450] : memref<512x64xf32, #tpu.memory_space<vmem>>[vector<16xi32>, vector<16xi32>], vector<16xf32>,
          tpu.vector_store_idx %arg7[%broadcast_in_dim3A_336, %parallel_loop3A_438, %broadcast_in_dim3A_1, %parallel_loop3A_441, %add3A_407], %parallel_loop3A_451 : memref<2x8x1x8x128xf32, #tpu.memory_space<vmem>>[vector<16xi32>, vector<16xi32>, vector<16xi32>, vector<16xi32>, vector<16xi32>], vector<16xf32>,
          %parallel_loop3A_452 = arith.addi %mul3A_378, %parallel_loop3A_435 : vector<16xi32>
          %parallel_loop3A_453 = tpu.vector_load_idx %arg6[%broadcast_in_dim3A_1, %parallel_loop3A_452] : memref<512x64xf32, #tpu.memory_space<vmem>>[vector<16xi32>, vector<16xi32>], vector<16xf32>,
          tpu.vector_store_idx %arg7[%broadcast_in_dim3A_336, %parallel_loop3A_438, %broadcast_in_dim3A_1, %parallel_loop3A_441, %add3A_410], %parallel_loop3A_453 : memref<2x8x1x8x128xf32, #tpu.memory_space<vmem>>[vector<16xi32>, vector<16xi32>, vector<16xi32>, vector<16xi32>, vector<16xi32>], vector<16xf32>,
          %parallel_loop3A_454 = arith.addi %mul3A_385, %parallel_loop3A_435 : vector<16xi32>
          %parallel_loop3A_455 = tpu.vector_load_idx %arg6[%broadcast_in_dim3A_1, %parallel_loop3A_454] : memref<512x64xf32, #tpu.memory_space<vmem>>[vector<16xi32>, vector<16xi32>], vector<16xf32>,
          tpu.vector_store_idx %arg7[%broadcast_in_dim3A_336, %parallel_loop3A_438, %broadcast_in_dim3A_1, %parallel_loop3A_441, %add3A_413], %parallel_loop3A_455 : memref<2x8x1x8x128xf32, #tpu.memory_space<vmem>>[vector<16xi32>, vector<16xi32>, vector<16xi32>, vector<16xi32>, vector<16xi32>], vector<16xf32>,
          %parallel_loop3A_456 = arith.addi %mul3A_392, %parallel_loop3A_435 : vector<16xi32>
          %parallel_loop3A_457 = tpu.vector_load_idx %arg6[%broadcast_in_dim3A_1, %parallel_loop3A_456] : memref<512x64xf32, #tpu.memory_space<vmem>>[vector<16xi32>, vector<16xi32>], vector<16xf32>,
          tpu.vector_store_idx %arg7[%broadcast_in_dim3A_336, %parallel_loop3A_438, %broadcast_in_dim3A_1, %parallel_loop3A_441, %add3A_416], %parallel_loop3A_457 : memref<2x8x1x8x128xf32, #tpu.memory_space<vmem>>[vector<16xi32>, vector<16xi32>, vector<16xi32>, vector<16xi32>, vector<16xi32>], vector<16xf32>,
        } {sc.loop_unroll_factor = 4 : i64, sc.parallel_access}
        %add3A_419 = arith.addi %mul3A_273, %add3A_283 : i32
        %eq3A_420 = arith.constant 0 : i32
        %eq3A_421 = arith.cmpi eq, %rem3A_288, %eq3A_420 : i32
        %convert_element_type3A_422 = arith.extui %eq3A_421 : i1 to i32
        %cond3A_423 = arith.constant 0 : i32
        %cond3A_424 = arith.cmpi ne, %convert_element_type3A_422, %cond3A_423 : i32
        scf.if %cond3A_424 {
          %dma_start3A_430 = arith.constant 0 : i32
          %dma_start3A_431 = arith.constant 0 : i32
          %dma_start3A_432 = arith.constant 0 : i32
          %dma_start3A_433 = arith.constant 0 : i32
          %dma_start3A_434 = arith.constant 0 : i32
          %dma_start3A_435 = tpu.memref_slice %arg7[%dma_start3A_430, %dma_start3A_431, %dma_start3A_432, %dma_start3A_433, %dma_start3A_434] : memref<2x8x1x8x128xf32, #tpu.memory_space<vmem>> -> memref<1x8x1x8x128xf32, #tpu.memory_space<vmem>>
          %dma_start3A_436 = arith.constant 0 : i32
          %dma_start3A_437 = arith.constant 0 : i32
          %dma_start3A_438 = arith.constant 0 : i32
          %dma_start3A_439 = tpu.memref_slice %arg4[%add3A_419, %dma_start3A_436, %add3A_269, %dma_start3A_437, %dma_start3A_438] : memref<200x8x128x8x128xf32, #tpu.memory_space<hbm>> -> memref<1x8x1x8x128xf32, #tpu.memory_space<hbm>>
          %dma_start3A_440 = arith.constant 0 : i32
          %dma_start3A_441 = arith.constant 0 : i32
          %dma_start3A_442 = arith.constant 0 : i32
          %dma_start3A_443 = tpu.memref_slice %arg4[%add3A_419, %dma_start3A_440, %add3A_269, %dma_start3A_441, %dma_start3A_442] : memref<200x8x128x8x128xf32, #tpu.memory_space<hbm>> -> memref<1x8x1x8x128xf32, #tpu.memory_space<hbm>>
          %dma_start3A_444 = arith.constant 0 : i32
          %dma_start3A_445 = arith.constant 0 : i32
          %dma_start3A_446 = arith.constant 0 : i32
          %dma_start3A_447 = arith.constant 0 : i32
          %dma_start3A_448 = arith.constant 0 : i32
          %dma_start3A_449 = tpu.memref_slice %arg7[%dma_start3A_444, %dma_start3A_445, %dma_start3A_446, %dma_start3A_447, %dma_start3A_448] : memref<2x8x1x8x128xf32, #tpu.memory_space<vmem>> -> memref<1x8x1x8x128xf32, #tpu.memory_space<vmem>>
          tpu.enqueue_dma source(%dma_start3A_449 : memref<1x8x1x8x128xf32, #tpu.memory_space<vmem>>) target(%dma_start3A_443 : memref<1x8x1x8x128xf32, #tpu.memory_space<hbm>>) target_semaphore(%arg9 : memref<!tpu.dma_semaphore, #tpu.memory_space<semaphore_mem>>)
        } else {
        }
        %eq3A_425 = arith.constant 1 : i32
        %eq3A_426 = arith.cmpi eq, %rem3A_288, %eq3A_425 : i32
        %convert_element_type3A_427 = arith.extui %eq3A_426 : i1 to i32
        %cond3A_428 = arith.constant 0 : i32
        %cond3A_429 = arith.cmpi ne, %convert_element_type3A_427, %cond3A_428 : i32
        scf.if %cond3A_429 {
          %dma_start3A_430 = arith.constant 1 : i32
          %dma_start3A_431 = arith.constant 0 : i32
          %dma_start3A_432 = arith.constant 0 : i32
          %dma_start3A_433 = arith.constant 0 : i32
          %dma_start3A_434 = arith.constant 0 : i32
          %dma_start3A_435 = tpu.memref_slice %arg7[%dma_start3A_430, %dma_start3A_431, %dma_start3A_432, %dma_start3A_433, %dma_start3A_434] : memref<2x8x1x8x128xf32, #tpu.memory_space<vmem>> -> memref<1x8x1x8x128xf32, #tpu.memory_space<vmem>>
          %dma_start3A_436 = arith.constant 0 : i32
          %dma_start3A_437 = arith.constant 0 : i32
          %dma_start3A_438 = arith.constant 0 : i32
          %dma_start3A_439 = tpu.memref_slice %arg4[%add3A_419, %dma_start3A_436, %add3A_269, %dma_start3A_437, %dma_start3A_438] : memref<200x8x128x8x128xf32, #tpu.memory_space<hbm>> -> memref<1x8x1x8x128xf32, #tpu.memory_space<hbm>>
          %dma_start3A_440 = arith.constant 0 : i32
          %dma_start3A_441 = arith.constant 0 : i32
          %dma_start3A_442 = arith.constant 0 : i32
          %dma_start3A_443 = tpu.memref_slice %arg4[%add3A_419, %dma_start3A_440, %add3A_269, %dma_start3A_441, %dma_start3A_442] : memref<200x8x128x8x128xf32, #tpu.memory_space<hbm>> -> memref<1x8x1x8x128xf32, #tpu.memory_space<hbm>>
          %dma_start3A_444 = arith.constant 1 : i32
          %dma_start3A_445 = arith.constant 0 : i32
          %dma_start3A_446 = arith.constant 0 : i32
          %dma_start3A_447 = arith.constant 0 : i32
          %dma_start3A_448 = arith.constant 0 : i32
          %dma_start3A_449 = tpu.memref_slice %arg7[%dma_start3A_444, %dma_start3A_445, %dma_start3A_446, %dma_start3A_447, %dma_start3A_448] : memref<2x8x1x8x128xf32, #tpu.memory_space<vmem>> -> memref<1x8x1x8x128xf32, #tpu.memory_space<vmem>>
          tpu.enqueue_dma source(%dma_start3A_449 : memref<1x8x1x8x128xf32, #tpu.memory_space<vmem>>) target(%dma_start3A_443 : memref<1x8x1x8x128xf32, #tpu.memory_space<hbm>>) target_semaphore(%arg10 : memref<!tpu.dma_semaphore, #tpu.memory_space<semaphore_mem>>)
        } else {
        }
      }
      %scan3A_278 = arith.constant 8 : i32
    }
    %scan3A_185 = arith.constant 100 : i32
    %dma_wait3A_186 = arith.constant 0 : i32
    %dma_wait3A_187 = arith.constant 0 : i32
    %dma_wait3A_188 = arith.constant 0 : i32
    %dma_wait3A_189 = arith.constant 0 : i32
    %dma_wait3A_190 = arith.constant 0 : i32
    %dma_wait3A_191 = tpu.memref_slice %arg7[%dma_wait3A_186, %dma_wait3A_187, %dma_wait3A_188, %dma_wait3A_189, %dma_wait3A_190] : memref<2x8x1x8x128xf32, #tpu.memory_space<vmem>> -> memref<1x8x1x8x128xf32, #tpu.memory_space<vmem>>
    %dma_wait3A_192 = arith.constant 0 : i32
    %dma_wait3A_193 = arith.constant 0 : i32
    %dma_wait3A_194 = arith.constant 0 : i32
    %dma_wait3A_195 = arith.constant 0 : i32
    %dma_wait3A_196 = arith.constant 0 : i32
    %dma_wait3A_197 = tpu.memref_slice %arg4[%dma_wait3A_192, %dma_wait3A_193, %dma_wait3A_194, %dma_wait3A_195, %dma_wait3A_196] : memref<200x8x128x8x128xf32, #tpu.memory_space<hbm>> -> memref<1x8x1x8x128xf32, #tpu.memory_space<hbm>>
    %dma_wait3A_198 = arith.constant 0 : i32
    %dma_wait3A_199 = arith.constant 0 : i32
    %dma_wait3A_200 = arith.constant 0 : i32
    %dma_wait3A_201 = arith.constant 0 : i32
    %dma_wait3A_202 = arith.constant 0 : i32
    %dma_wait3A_203 = tpu.memref_slice %arg4[%dma_wait3A_198, %dma_wait3A_199, %dma_wait3A_200, %dma_wait3A_201, %dma_wait3A_202] : memref<200x8x128x8x128xf32, #tpu.memory_space<hbm>> -> memref<1x8x1x8x128xf32, #tpu.memory_space<hbm>>
    %dma_wait3A_204 = arith.constant 0 : i32
    %dma_wait3A_205 = arith.constant 0 : i32
    %dma_wait3A_206 = arith.constant 0 : i32
    %dma_wait3A_207 = arith.constant 0 : i32
    %dma_wait3A_208 = arith.constant 0 : i32
    %dma_wait3A_209 = tpu.memref_slice %arg7[%dma_wait3A_204, %dma_wait3A_205, %dma_wait3A_206, %dma_wait3A_207, %dma_wait3A_208] : memref<2x8x1x8x128xf32, #tpu.memory_space<vmem>> -> memref<1x8x1x8x128xf32, #tpu.memory_space<vmem>>
    tpu.wait_dma2 semaphore(%arg9 : memref<!tpu.dma_semaphore, #tpu.memory_space<semaphore_mem>>) src(%dma_wait3A_209 : memref<1x8x1x8x128xf32, #tpu.memory_space<vmem>>) dst(%dma_wait3A_203 : memref<1x8x1x8x128xf32, #tpu.memory_space<hbm>>)
    %dma_wait3A_210 = arith.constant 0 : i32
    %dma_wait3A_211 = arith.constant 0 : i32
    %dma_wait3A_212 = arith.constant 0 : i32
    %dma_wait3A_213 = arith.constant 0 : i32
    %dma_wait3A_214 = arith.constant 0 : i32
    %dma_wait3A_215 = tpu.memref_slice %arg7[%dma_wait3A_210, %dma_wait3A_211, %dma_wait3A_212, %dma_wait3A_213, %dma_wait3A_214] : memref<2x8x1x8x128xf32, #tpu.memory_space<vmem>> -> memref<1x8x1x8x128xf32, #tpu.memory_space<vmem>>
    %dma_wait3A_216 = arith.constant 0 : i32
    %dma_wait3A_217 = arith.constant 0 : i32
    %dma_wait3A_218 = arith.constant 0 : i32
    %dma_wait3A_219 = arith.constant 0 : i32
    %dma_wait3A_220 = arith.constant 0 : i32
    %dma_wait3A_221 = tpu.memref_slice %arg4[%dma_wait3A_216, %dma_wait3A_217, %dma_wait3A_218, %dma_wait3A_219, %dma_wait3A_220] : memref<200x8x128x8x128xf32, #tpu.memory_space<hbm>> -> memref<1x8x1x8x128xf32, #tpu.memory_space<hbm>>
    %dma_wait3A_222 = arith.constant 0 : i32
    %dma_wait3A_223 = arith.constant 0 : i32
    %dma_wait3A_224 = arith.constant 0 : i32
    %dma_wait3A_225 = arith.constant 0 : i32
    %dma_wait3A_226 = arith.constant 0 : i32
    %dma_wait3A_227 = tpu.memref_slice %arg4[%dma_wait3A_222, %dma_wait3A_223, %dma_wait3A_224, %dma_wait3A_225, %dma_wait3A_226] : memref<200x8x128x8x128xf32, #tpu.memory_space<hbm>> -> memref<1x8x1x8x128xf32, #tpu.memory_space<hbm>>
    %dma_wait3A_228 = arith.constant 0 : i32
    %dma_wait3A_229 = arith.constant 0 : i32
    %dma_wait3A_230 = arith.constant 0 : i32
    %dma_wait3A_231 = arith.constant 0 : i32
    %dma_wait3A_232 = arith.constant 0 : i32
    %dma_wait3A_233 = tpu.memref_slice %arg7[%dma_wait3A_228, %dma_wait3A_229, %dma_wait3A_230, %dma_wait3A_231, %dma_wait3A_232] : memref<2x8x1x8x128xf32, #tpu.memory_space<vmem>> -> memref<1x8x1x8x128xf32, #tpu.memory_space<vmem>>
    tpu.wait_dma2 semaphore(%arg10 : memref<!tpu.dma_semaphore, #tpu.memory_space<semaphore_mem>>) src(%dma_wait3A_233 : memref<1x8x1x8x128xf32, #tpu.memory_space<vmem>>) dst(%dma_wait3A_227 : memref<1x8x1x8x128xf32, #tpu.memory_space<hbm>>)
    return
  }
}

</mosaic_0001>

<sc_bundles>
// kernel: remap_table_sc.3.cloned.1.call-start
scs
__scs_entry_jumppad:
0x0: {  	(pc) =	sbr.rel $0x88, $3  }
0x1: {  	(tag) =	ssettag $0x0;
	lr =	simm.s32 $0x1  }
0x2: {  	[smem:$0x3F9E] =	sst lr;
	_ =	strace $0xD0000000  }
0x3: {  	_ = 	snop  }
0x4: {  	_ = 	snop  }
0x5: {  	_ = 	snop  }
0x6: {  	_ = 	snop  }
0x7: {  	_ = 	snop  }
__scs_overlays_trampoline_lowered:
0x8: {  	[smem:$0x3FAD] =	sst s0  }
0x9: {  	[smem:$0x3FAE] =	sst s1  }
0xa: {  	[smem:$0x3FAF] =	sst s2  }
0xb: {  	[smem:$0x3FB0] =	sst s3  }
0xc: {  	[smem:$0x3FB1] =	sst s4  }
0xd: {  	[smem:$0x3FB2] =	sst s5  }
0xe: {  	[smem:$0x3FB3] =	sst s6  }
0xf: {  	[smem:$0x3FB4] =	sst s7  }
0x10: {  	[smem:$0x3FB5] =	sst s8  }
0x11: {  	[smem:$0x3FB6] =	sst s9;
	s0 =	simm.s32 @!p0 $0x0  }
0x12: {  	s1 =	sld [smem:$0x3F9C];
	s0 =	simm.s32 @p0 $0x1  }
0x13: {  	[smem:$0x3FB7] =	sst s0;
	s0 =	simm.s32 @!p1 $0x0  }
0x14: {  	s2 =	sld [smem:$0x3F9B];
	s0 =	simm.s32 @p1 $0x1  }
0x15: {  	[smem:$0x3FB8] =	sst s0;
	s0 =	simm.s32 @!p2 $0x0  }
0x16: {  	s3 =	sld [smem:$0x3FDB];
	s0 =	simm.s32 @p2 $0x1  }
0x17: {  	s4 =	simm.s32 $0x1BF5;
	[smem:$0x3FBA] =	sst s0  }
0x18: {  	s0 =	sld [smem:$0x3F9D];
	_ =	swait.ge [sflag:s4], $0x0  }
0x19: {  	s7 =	sld [smem:$0x3F9E]  }
0x1a: {  	s8 =	sadd.s32 $0xFFFFE003, lr  }
0x1b: {  	s9 =	sadd.s32 $0xFFFFFEF7, lr;
	s5 =	simm.s32 $0xFFFFFFFF;
	p2 =	slt.u32 s8, $0xFFFFF086  }
0x1c: {  	p1 =	slt.u32 s9, $0xF7A;
	s5 =	simm.s32 @!p2 $0x0  }
0x1d: {  	s5 =	simm.s32 @p1 $0x1;
	p0 =	seq.s32 s7, s2  }
0x1e: {  	s7 =	smul.u32 @!p0 $0xF7A, s2;
	p2 =	seq.s32 @!p0 s5, $0x0  }
0x1f: {  	s9 =	smul.u32 $0xF7A, s1;
	s8 =	simm.s32 @!p0 $0x1BF5;
	p2 =	por !p2, p0  }
0x20: {  	[sflag:s8] =	ssyncset.s32 @!p0 $0xFFFFF086;
	s6 =	sadd.s32 @!p0 s3, s7;
	s7 =	simm.s32 @!p0 $0x108  }
0x21: {  	s3 =	sadd.s32 s3, s9;
	s6 =	sadd.s32 @!p0 $0x88, s6;
	s7 =	simm.s32 @p2 $0x1082  }
0x22: {  	[simem:s7], [sflag:s8] =	dma.local @!p0 [hbm:s6], $0xF7A  }
0x23: {  	s9 =	sor.u32 $0xD0000000, s2;
	s6 =	simm.s32 $0x108;
	_ =	swait.ge @!p0 [sflag:s8], $0x0  }
0x24: {  	s3 =	sadd.s32 $0x88, s3;
	s6 =	simm.s32 @!p1 $0x1082;
	[sflag:s4] =	ssyncset.s32 $0xFFFFF086  }
0x25: {  	[simem:s6], [sflag:s4] =	dma.local [hbm:s3], $0xF7A  }
0x26: {  	[smem:$0x3F9E] =	sst s1;
	(tag) =	ssettag s2;
	_ =	strace s9  }
0x27: {  	s1 =	sld [smem:$0x3FAE]  }
0x28: {  	s2 =	sld [smem:$0x3FAF]  }
0x29: {  	s4 =	sld [smem:$0x3FB1]  }
0x2a: {  	p0 =	seq.s32 s5, $0x0;
	s5 =	sld [smem:$0x3FB2]  }
0x2b: {  	s6 =	sld [smem:$0x3FB3]  }
0x2c: {  	s7 =	sld [smem:$0x3FB4]  }
0x2d: {  	s3 =	simm.s32 $0x108;
	s8 =	sld [smem:$0x3FB5]  }
0x2e: {  	s3 =	simm.s32 @!p0 $0x1082;
	s9 =	sld [smem:$0x3FB6]  }
0x2f: {  	lr =	sadd.s32 s0, s3;
	s0 =	sld [smem:$0x3FAD]  }
0x30: {  	s3 =	sld [smem:$0x3FB0]  }
0x31: {  	[smem:$0x3FB9] =	sst s10  }
0x32: {  	s10 =	sld [smem:$0x3FB7];
	_ =	sdelay $0x3  }
0x33: {  	p0 =	seq.s32 s10, $0x1;
	s10 =	sld [smem:$0x3FB9];
	_ =	sdelay $0x3  }
0x34: {  	[smem:$0x3FB9] =	sst s10  }
0x35: {  	s10 =	sld [smem:$0x3FB8];
	_ =	sdelay $0x3  }
0x36: {  	p1 =	seq.s32 s10, $0x1;
	s10 =	sld [smem:$0x3FB9];
	_ =	sdelay $0x3  }
0x37: {  	[smem:$0x3FB9] =	sst s10  }
0x38: {  	s10 =	sld [smem:$0x3FBA]  }
0x39: {  	_ = 	snop;
	(pc) =	sbr.ind lr, $3  }
0x3a: {  	_ = 	snop  }
0x3b: {  	_ = 	snop  }
0x3c: {  	p2 =	seq.s32 s10, $0x1;
	s10 =	sld [smem:$0x3FB9]  }
0x3d: {  	_ =	shalt  }
0x3e: {  	_ =	shalt  }
0x3f: {  	_ =	shalt  }
0x40: {  	_ =	shalt  }
0x41: {  	_ =	shalt  }
0x42: {  	_ =	shalt  }
0x43: {  	_ =	shalt  }
0x44: {  	_ =	shalt  }
0x45: {  	_ =	shalt  }
0x46: {  	_ =	shalt  }
0x47: {  	_ =	shalt  }
0x48: {  	_ =	shalt  }
0x49: {  	_ =	shalt  }
0x4a: {  	_ =	shalt  }
0x4b: {  	_ =	shalt  }
0x4c: {  	_ =	shalt  }
0x4d: {  	_ =	shalt  }
0x4e: {  	_ =	shalt  }
0x4f: {  	_ =	shalt  }
0x50: {  	_ =	shalt  }
0x51: {  	_ =	shalt  }
0x52: {  	_ =	shalt  }
0x53: {  	_ =	shalt  }
0x54: {  	_ =	shalt  }
0x55: {  	_ =	shalt  }
0x56: {  	_ =	shalt  }
0x57: {  	_ =	shalt  }
0x58: {  	_ =	shalt  }
0x59: {  	_ =	shalt  }
0x5a: {  	_ =	shalt  }
0x5b: {  	_ =	shalt  }
0x5c: {  	_ =	shalt  }
0x5d: {  	_ =	shalt  }
0x5e: {  	_ =	shalt  }
0x5f: {  	_ =	shalt  }
0x60: {  	_ =	shalt  }
0x61: {  	_ =	shalt  }
0x62: {  	_ =	shalt  }
0x63: {  	_ =	shalt  }
0x64: {  	_ =	shalt  }
0x65: {  	_ =	shalt  }
0x66: {  	_ =	shalt  }
0x67: {  	_ =	shalt  }
0x68: {  	_ =	shalt  }
0x69: {  	_ =	shalt  }
0x6a: {  	_ =	shalt  }
0x6b: {  	_ =	shalt  }
0x6c: {  	_ =	shalt  }
0x6d: {  	_ =	shalt  }
0x6e: {  	_ =	shalt  }
0x6f: {  	_ =	shalt  }
0x70: {  	_ =	shalt  }
0x71: {  	_ =	shalt  }
0x72: {  	_ =	shalt  }
0x73: {  	_ =	shalt  }
0x74: {  	_ =	shalt  }
0x75: {  	_ =	shalt  }
0x76: {  	_ =	shalt  }
0x77: {  	_ =	shalt  }
0x78: {  	_ =	shalt  }
0x79: {  	_ =	shalt  }
0x7a: {  	_ =	shalt  }
0x7b: {  	_ =	shalt  }
0x7c: {  	_ =	shalt  }
0x7d: {  	_ =	shalt  }
0x7e: {  	_ =	shalt  }
0x7f: {  	_ =	shalt  }
0x80: {  	_ =	shalt  }
0x81: {  	_ =	shalt  }
0x82: {  	_ =	shalt  }
0x83: {  	_ =	shalt  }
0x84: {  	_ =	shalt  }
0x85: {  	_ =	shalt  }
0x86: {  	_ =	shalt  }
0x87: {  	_ =	shalt  }
.Lfunc_end0:
.L_simem_size_0:
called_computation_lowered:
.L_overlay_start_0:
0x88: {  	s2 =	sld [smem:$0x3FD9]  }
0x89: {  	s3 =	sld [smem:$0x3FFE];
	_ =	sdelay $0x1  }
0x8a: {  	s1 =	srdreg.scid  }
0x8b: {  	s0 =	sand.u32 $0x1, s1  }
0x8c: {  	s17 =	sshll.u32 s0, $0xA;
	s2 =	sadd.s32 s3, s2  }
0x8d: {  	s2 =	sadd.s32 s2, s17  }
0x8e: {  	[smem:$0x3FC5] =	sst s2  }
0x8f: {  	_ = 	snop  }
0x90: {  	s2 =	sld [smem:$0x3FD0];
	(tm) =	ssettm $0x1  }
0x91: {  	s18 =	sld [smem:$0x3FFB];
	_ =	sdelay $0x3  }
0x92: {  	_ =	strace s18  }
0x93: {  	s3 =	sld [smem:$0x3FFC];
	_ =	sdelay $0x3  }
0x94: {  	_ =	strace s3  }
0x95: {  	s3 =	sld [smem:$0x3FFD];
	_ =	sdelay $0x3  }
0x96: {  	_ =	strace s3  }
0x97: {  	_ =	strace $0x8FFFFFFF  }
0x98: {  	s19 =	sld [smem:$0x3FDB];
	_ =	sdelay $0x1  }
0x99: {  	s4 =	simm.s32 $_scs_section_size  }
0x9a: {  	s5 =	simm.s32 $_size__tile_overlayer_lowered;
	s6 =	simm.s32 $_tile_overlayer_lowered  }
0x9b: {  	s22 =	simm.s32 $0x1BFF;
	s21 =	sshll.u32 s6, $0x1;
	s3 =	sadd.s32 s4, s19  }
0x9c: {  	s7 =	simm.s32 $0x0;
	s20 =	sshll.u32 s5, $0x1;
	s5 =	sadd.s32 s21, s3  }
0x9d: {  	[timem:s7], [sflag:s22] =	dma.local [hbm:s5], s20  }
0x9e: {  	_ =	swait.ge [sflag:s22], s20  }
0x9f: {  	s4 =	ssub.s32 $0x0, s20;
	[sflag:s22] =	ssyncset.done $0x0  }
0xa0: {  	[sflag:s22] =	ssyncadd.s32 s4;
	_ =	sdelay $0x1  }
0xa1: {  	s23 =	simm.s32 $0x1B8B  }
0xa2: {  	_ =	swait.ge [sflag:s23], $0x1  }
0xa3: {  	[sflag:s23] =	ssyncset.done $0x0  }
0xa4: {  	s25 =	simm.s32 $0x1B8E;
	s24 =	sld [smem:$0x3FFE];
	[sflag:s23] =	ssyncadd.s32 $0xFFFFFFFF  }
0xa5: {  	s26 =	simm.s32 $execute0_lowered;
	[smem:$0x3FD2] =	sst s25  }
0xa6: {  	s5 =	sshll.u32 s26, $0x1;
	_ =	strace $0x80000046;
	[dreg:$0x1] =	wrdreg $0xFFFFFFFF  }
0xa7: {  	s28 =	simm.s32 $_size_execute0_lowered;
	s3 =	sadd.s32 s3, s5;
	[dreg:$0x0] =	wrdreg $0x0  }
0xa8: {  	s5 =	sshll.u32 s28, $0x1;
	[dreg:$0x2] =	wrdreg s3  }
0xa9: {  	[dreg:$0x3] =	wrdreg s5  }
0xaa: {  	[dreg:$0x4] =	wrdreg $0xC0  }
0xab: {  	_ =	task [dreg:s7], $0x5FFFF  }
0xac: {  	[dreg:$0x1] =	wrdreg $0xFFFFFFFF  }
0xad: {  	[dreg:$0x0] =	wrdreg $0x60  }
0xae: {  	[dreg:$0x2] =	wrdreg s2  }
0xaf: {  	[dreg:$0x3] =	wrdreg s24  }
0xb0: {  	[dreg:$0x4] =	wrdreg $0x9  }
0xb1: {  	_ =	task.clear_ibuf [dreg:s7], $0x5FFFF;
	_ =	strace $0x90000046  }
0xb2: {  	s29 =	simm.s32 $0x9;
	_ =	strace $0x80000048  }
0xb3: {  	_ =	swait.ge [sflag:s29], $0x1  }
0xb4: {  	[sflag:s29] =	ssyncadd.s32 $0xFFFFFFFF  }
0xb5: {  	_ =	strace $0x90000048  }
0xb6: {  	_ =	sfence  }
0xb7: {  	s30 =	sld [smem:$0x0];
	_ =	sdelay $0x2  }
0xb8: {  	s31 =	sshll.u32 s1, $0xD;
	s1 =	sshrl.u32 s1, $0x2  }
0xb9: {  	s3 =	sand.u32 $0x4000, s31;
	s1 =	sadd.s32 s1, s30  }
0xba: {  	s0 =	sor.u32 s3, s0;
	s1 =	sshll.u32 s1, $0x11  }
0xbb: {  	s0 =	sor.u32 s1, s0  }
0xbc: {  	s0 =	sadd.s32 $0x8F2B, s0  }
0xbd: {  	[sflag:s0] =	ssyncadd.remote.s32 $0x1  }
0xbe: {  	_ =	sfence.sel $0xFFFF  }
0xbf: {  	[dreg:$0x0] =	wrdreg $0xFFFFFFFF;
	(pc) =	sbr.abs _section_cstart, $3  }
0xc0: {  	[dreg:$0x1] =	wrdreg $0xFFFFFFFF  }
0xc1: {  	_ =	task.clear_ibuf [dreg:s7], $0x2FFFF;
	_ =	strace $0x9FFFFFFF  }
0xc2: {  	(tm) =	ssettm $0x7FFFFFFF  }
0xc3: {  	_ =	shalt  }
tec
execute0_lowered:
.L_overlay_start_1:
0x0: {  	(tag) =	ssettag $0x1  }
0x1: {  	s7 =	rddreg [dreg:$0x0]  }
0x2: {  	s4 =	rddreg [dreg:$0x1]  }
0x3: {  	s3 =	srdreg.scid;
	s1 =	stileid.u32;
	s2 =	simm.s32 $0x0  }
0x4: {  	s13 =	simm.s32 $0x2;
	s14 =	simm.s32 $0x3;
	s10 =	smul.u32 $0x32, s1  }
0x5: {  	s15 =	simm.s32 $0x0;
	s6 =	sand.u32 $0x1, s3;
	s28 =	smul.u32 $0xC800, s1  }
0x6: {  	s24 =	sshll.u32 s1, $0x1;
	[smem:$0x7FF] =	sst s2;
	s12 =	smul.u32 $0x19, s6  }
0x7: {  	s3 =	sadd.s32 $0x1A00, s4;
	s5 =	sor.u32 s6, s24;
	s29 =	smul.u32 $0x6400, s6  }
0x8: {  	s11 =	sadd.s32 $0xC5000, s4;
	s9 =	ssub.s32 $0x2, s6;
	s8 =	smul.u32 $0x190, s5  }
0x9: {  	_ =	strace $0x80000047;
	s25 =	sshrl.u32 s9, $0x1;
	s26 =	smul.u32 $0x6400, s5  }
0xa: {  	s30 =	sadd.s32 s28, s11;
	s9 =	ssub.s32 s9, s25;
	s10 =	sadd.s32 s12, s10  }
0xb: {  	s12 =	simm.s32 $0x1;
	s4 =	sadd.s32 s7, s8;
	s5 =	smax.u32 s9, $0x1  }
0xc: {  	s8 =	sadd.s32 s11, s26;
	s10 =	sshll.u32 s10, $0x4;
	s9 =	simm.s32 $0x4  }
0xd: {  	s11 =	simm.s32 $0x100;
	s6 =	sadd.s32 $0x6000, s8;
	s31 =	sadd.s32 s10, s7  }
0xe: {  	s7 =	sadd.s32 s29, s30;
	s10 =	simm.s32 $0x80;
	s8 =	sadd.s32 $0x10, s31  }
.LBB2_1:
0xf: {  	[tilespmem:s2], [sflag:$0x4] =	stream.linear.gather [hbm4b:s4+s2], $0x80, $0x38;
	[tilespmem:$0x4100] =	vst v63  }
0x10: {  	s16 =	simm.s32 $0x0  }
0x11: {  	s31 =	simm.s32 $0x200;
	s19 =	simm.s32 $0x3;
	_ =	swait.ge [sflag:s9], $0x80  }
0x12: {  	s18 =	sadd.s32 $0x10, s8;
	s24 =	sand.u32 $0x1, s12;
	[sflag:s9] =	ssyncset.done $0x0  }
0x13: {  	s20 =	sand.u32 $0x1, s16;
	s17 =	sand.u32 $0x200, s31;
	[sflag:s9] =	ssyncadd.s32 $0xFFFFFF80  }
0x14: {  	[tilespmem:s11], [sflag:$0x1] =	stream.indirect.gather [hbm4b:s3+s10], $0x40, s2, s10, $0xb8;
	[tilespmem:$0x4100] =	vst v63  }
0x15: {  	s21 =	simm.s32 $0x400;
	p0 =	seq.s32 s20, $0x1;
	s17 =	sshrl.u32 s17, $0x2  }
0x16: {  	[tilespmem:s17], [sflag:$0x4] =	stream.linear.gather [hbm4b:s8+s2], $0x80, $0x38;
	[tilespmem:$0x4100] =	vst v63  }
0x17: {  	s16 =	simm.s32 $0x2;
	p1 =	por @!p0 $0x1, $0x1;
	_ =	swait.ge [sflag:s9], $0x80  }
0x18: {  	s25 =	sshll.u32 s24, $0x7;
	p2 =	por p1, p0;
	[sflag:s9] =	ssyncset.done $0x0  }
0x19: {  	s29 =	sshll.u32 s24, $0xD;
	p2 =	por @!p2 $0x0, $0x0;
	[sflag:s9] =	ssyncadd.s32 $0xFFFFFF80  }
0x1a: {  	p1 =	por @!p0 p2, p1;
	p0 =	por p0, p0;
	_ =	swait.ge [sflag:s12], $0x2000  }
0x1b: {  	s24 =	smov.u32 s7;
	p1 =	por p1, p0;
	[sflag:s12] =	ssyncset.done $0x0  }
0x1c: {  	s17 =	sadd.s32 $0x400, s7;
	s26 =	simm.s32 @!p1 $0x3;
	[sflag:s12] =	ssyncadd.s32 $0xFFFFE000  }
0x1d: {  	p2 =	seq.s32 s20, $0x0;
	s22 =	simm.s32 @p0 $0x0;
	_ =	swait.ge @!p1 [sflag:s26], $0x2000  }
0x1e: {  	s23 =	simm.s32 @p0 $0x2100;
	s28 =	simm.s32 @!p2 $0x2;
	[sflag:s26] =	ssyncset.done @!p1 $0x0  }
.LBB2_2:
0x1f: {  	s30 =	sadd.s32 $0xFFFFFFFF, s16;
	s31 =	sand.u32 $0x200, s21  }
0x20: {  	[sflag:s26] =	ssyncadd.s32 @!p1 $0xFFFFE000;
	s0 =	smov.u32 s16;
	s16 =	smov.u32 s19  }
0x21: {  	s26 =	sand.u32 $0x1, s30;
	s31 =	sshrl.u32 s31, $0x2;
	_ =	swait.ge @!p2 [sflag:s28], $0x2000  }
0x22: {  	p3 =	sne.s32 s20, $0x0;
	p1 =	seq.s32 s26, $0x1;
	[sflag:s28] =	ssyncset.done @!p2 $0x0  }
0x23: {  	s20 =	sor.u32 $0x100, s29;
	p4 =	seq.s32 @!p1 s30, $0x0;
	[sflag:s28] =	ssyncadd.s32 @!p2 $0xFFFFE000  }
0x24: {  	[tilespmem:s20], [sflag:$0x1] =	stream.indirect.gather [hbm4b:s3+s10], $0x40, s25, s10, $0xb8;
	[tilespmem:$0x4100] =	vst v63  }
0x25: {  	p2 =	por p4, p1;
	s20 =	simm.s32 @!p3 $0x0;
	s25 =	simm.s32 @!p3 $0x100  }
0x26: {  	[hbm4b:s24+s20] =	stream.linear.scatter @!p3 [tilespmem:s25], [sflag:$0x2], $0x2000, $0x38;
	[tilespmem:$0x4100] =	vst v63  }
0x27: {  	s19 =	sadd.s32 $0x1, s19;
	p2 =	seq.s32 @!p2 s30, $0x18;
	s20 =	smov.u32 s26  }
0x28: {  	[hbm4b:s24+s22] =	stream.linear.scatter @p0 [tilespmem:s23], [sflag:$0x3], $0x2000, $0x38;
	[tilespmem:$0x4100] =	vst v63  }
0x29: {  	p3 =	sne.s32 s19, $0x19;
	p2 =	por @!p1 p2, p4;
	s24 =	smov.u32 s17  }
0x2a: {  	[tilespmem:s31], [sflag:$0x4] =	stream.linear.gather [hbm4b:s18+s2], $0x80, $0x38;
	[tilespmem:$0x4100] =	vst v63  }
0x2b: {  	p0 =	por p1, p1;
	_ =	swait.ge [sflag:s9], $0x80  }
0x2c: {  	s18 =	sadd.s32 $0x10, s18;
	[sflag:s9] =	ssyncset.done $0x0  }
0x2d: {  	s22 =	simm.s32 @p0 $0x0;
	s23 =	simm.s32 @p0 $0x2100;
	[sflag:s9] =	ssyncadd.s32 $0xFFFFFF80  }
.Ltmp0:
0x2e: {  	p1 =	por p2, p0;
	_ =	swait.ge [sflag:s12], $0x2000;
	(pc) =	sbr.rel @p3 .LBB2_2-.Ltmp0, $4  }
0x2f: {  	s17 =	sadd.s32 $0x400, s17;
	s26 =	simm.s32 @!p1 $0x3;
	[sflag:s12] =	ssyncset.done $0x0  }
0x30: {  	s21 =	sadd.s32 $0x200, s21;
	s0 =	sand.u32 $0x1, s0;
	[sflag:s12] =	ssyncadd.s32 $0xFFFFE000  }
0x31: {  	s25 =	sshll.u32 s0, $0x7;
	p2 =	seq.s32 s20, $0x0;
	_ =	swait.ge @!p1 [sflag:s26], $0x2000  }
0x32: {  	s29 =	sshll.u32 s0, $0xD;
	s28 =	simm.s32 @!p2 $0x2;
	[sflag:s26] =	ssyncset.done @!p1 $0x0  }
0x33: {  	[sflag:s26] =	ssyncadd.s32 @!p1 $0xFFFFE000  }
0x34: {  	_ =	swait.ge @!p2 [sflag:s28], $0x2000  }
0x35: {  	[sflag:s28] =	ssyncset.done @!p2 $0x0  }
0x36: {  	p1 =	sne.s32 s20, $0x0;
	s0 =	sor.u32 $0x100, s29;
	[sflag:s28] =	ssyncadd.s32 @!p2 $0xFFFFE000  }
0x37: {  	[tilespmem:s0], [sflag:$0x1] =	stream.indirect.gather [hbm4b:s3+s10], $0x40, s25, s10, $0xb8;
	[tilespmem:$0x4100] =	vst v63  }
0x38: {  	s19 =	simm.s32 @!p1 $0x0;
	s20 =	simm.s32 @!p1 $0x100;
	s0 =	sadd.s32 $0xFFFFFFFF, s16  }
0x39: {  	[hbm4b:s24+s19] =	stream.linear.scatter @!p1 [tilespmem:s20], [sflag:$0x2], $0x2000, $0x38;
	[tilespmem:$0x4100] =	vst v63  }
0x3a: {  	s29 =	sand.u32 $0x200, s21;
	s30 =	sand.u32 $0x1, s0  }
0x3b: {  	[hbm4b:s24+s22] =	stream.linear.scatter @p0 [tilespmem:s23], [sflag:$0x3], $0x2000, $0x38;
	[tilespmem:$0x4100] =	vst v63  }
0x3c: {  	s19 =	sshrl.u32 s29, $0x2;
	p0 =	seq.s32 s30, $0x1  }
0x3d: {  	[tilespmem:s19], [sflag:$0x4] =	stream.linear.gather [hbm4b:s18+s2], $0x80, $0x38;
	[tilespmem:$0x4100] =	vst v63  }
0x3e: {  	p1 =	seq.s32 @!p0 s0, $0x0;
	_ =	swait.ge [sflag:s9], $0x80  }
0x3f: {  	p2 =	por p1, p0;
	[sflag:s9] =	ssyncset.done $0x0  }
0x40: {  	p2 =	seq.s32 @!p2 s0, $0x18;
	[sflag:s9] =	ssyncadd.s32 $0xFFFFFF80  }
0x41: {  	p1 =	por @!p0 p2, p1;
	p0 =	por p0, p0;
	_ =	swait.ge [sflag:s12], $0x2000  }
0x42: {  	p1 =	por p1, p0;
	[sflag:s12] =	ssyncset.done $0x0  }
0x43: {  	s0 =	simm.s32 @!p1 $0x3;
	[sflag:s12] =	ssyncadd.s32 $0xFFFFE000  }
0x44: {  	_ =	swait.ge @!p1 [sflag:s0], $0x2000  }
0x45: {  	p2 =	seq.s32 s30, $0x0;
	[sflag:s0] =	ssyncset.done @!p1 $0x0  }
0x46: {  	s18 =	simm.s32 @!p2 $0x2;
	[sflag:s0] =	ssyncadd.s32 @!p1 $0xFFFFE000  }
0x47: {  	s31 =	sand.u32 $0x1, s16;
	_ =	swait.ge @!p2 [sflag:s18], $0x2000  }
0x48: {  	s16 =	sshll.u32 s31, $0x7;
	s0 =	sshll.u32 s31, $0xD;
	[sflag:s18] =	ssyncset.done @!p2 $0x0  }
0x49: {  	p1 =	sne.s32 s30, $0x0;
	s0 =	sor.u32 $0x100, s0;
	[sflag:s18] =	ssyncadd.s32 @!p2 $0xFFFFE000  }
0x4a: {  	[tilespmem:s0], [sflag:$0x1] =	stream.indirect.gather [hbm4b:s3+s10], $0x40, s16, s10, $0xb8;
	[tilespmem:$0x4100] =	vst v63  }
0x4b: {  	s0 =	simm.s32 @!p1 $0x0;
	s16 =	simm.s32 @!p1 $0x100  }
0x4c: {  	[hbm4b:s17+s0] =	stream.linear.scatter @!p1 [tilespmem:s16], [sflag:$0x2], $0x2000, $0x38;
	[tilespmem:$0x4100] =	vst v63  }
0x4d: {  	s0 =	simm.s32 @p0 $0x0;
	s16 =	simm.s32 @p0 $0x2100  }
0x4e: {  	[hbm4b:s17+s0] =	stream.linear.scatter @p0 [tilespmem:s16], [sflag:$0x3], $0x2000, $0x38;
	[tilespmem:$0x4100] =	vst v63  }
0x4f: {  	_ =	swait.ge [sflag:s12], $0x2000  }
0x50: {  	[sflag:s12] =	ssyncset.done $0x0  }
0x51: {  	s15 =	sadd.s32 $0x1, s15;
	[sflag:s12] =	ssyncadd.s32 $0xFFFFE000  }
0x52: {  	[hbm4b:s6+s2] =	stream.linear.scatter [tilespmem:s11], [sflag:$0x2], $0x2000, $0x38;
	[tilespmem:$0x4100] =	vst v63  }
0x53: {  	p0 =	sne.s32 s15, s5;
	_ =	swait.ge [sflag:s13], $0x2000  }
.Ltmp1:
0x54: {  	[sflag:s13] =	ssyncset.done $0x0;
	(pc) =	sbr.rel @p0 .LBB2_1-.Ltmp1, $4  }
0x55: {  	[sflag:s13] =	ssyncadd.s32 $0xFFFFE000  }
0x56: {  	_ =	swait.ge [sflag:s14], $0x2000  }
0x57: {  	[sflag:s14] =	ssyncset.done $0x0  }
0x58: {  	[sflag:s14] =	ssyncadd.s32 $0xFFFFE000  }
0x59: {  	_ =	sfence.sel $0x180000  }
0x5a: {  	[bflag:$0x0] =	sbarrier.arrive $0xFFFF  }
0x5b: {  	_ =	strace $0x90000047  }
0x5c: {  	[bflag:$0x2] =	sbarrier.arrive $0xFFFF  }
0x5d: {  	p0 =	sne.s32 s1, $0x0;
	s0 =	rddreg [dreg:$0x2]  }
0x5e: {  	s0 =	sadd.s32 @!p0 $0x100000, s0  }
0x5f: {  	[sflag:s0] =	ssyncadd.tile.s32 @!p0 $0x1;
	_ =	shalt  }
.Lfunc_end2:
_tile_overlayer_lowered:
.L_overlay_start_2:
0x60: {  	(tag) =	ssettag $0x2  }
0x61: {  	s0 =	rddreg [dreg:$0x0];
	s2 =	stileid.u32  }
0x62: {  	s1 =	rddreg [dreg:$0x1];
	p0 =	sne.s32 s2, $0x0  }
0x63: {  	s3 =	rddreg [dreg:$0x2];
	[bflag:$0x3] =	sbarrier.arrive $0xFFFF;
	s2 =	simm.s32 @!p0 $0x1C04  }
0x64: {  	[timem:s3], [sflag:s2] =	dma.local @!p0 [hbm:s0], s1  }
0x65: {  	s0 =	simm.s32 @!p0 $0x4  }
0x66: {  	_ =	swait.ge @!p0 [sflag:s0], s1  }
0x67: {  	s1 =	ssub.s32 @!p0 $0x0, s1;
	[sflag:s0] =	ssyncset.done @!p0 $0x0  }
0x68: {  	[sflag:s0] =	ssyncadd.s32 @!p0 s1  }
0x69: {  	[bflag:$0x3] =	sbarrier.arrive $0xFFFF  }
0x6a: {  	_ =	shalt  }

// kernel: token_gather_sc.3.cloned.1.call-start
scs
__scs_entry_jumppad:
0x0: {  	(pc) =	sbr.rel $0x88, $3  }
0x1: {  	(tag) =	ssettag $0x0;
	lr =	simm.s32 $0x1  }
0x2: {  	[smem:$0x3F9E] =	sst lr;
	_ =	strace $0xD0000000  }
0x3: {  	_ = 	snop  }
0x4: {  	_ = 	snop  }
0x5: {  	_ = 	snop  }
0x6: {  	_ = 	snop  }
0x7: {  	_ = 	snop  }
__scs_overlays_trampoline_lowered:
0x8: {  	[smem:$0x3FAD] =	sst s0  }
0x9: {  	[smem:$0x3FAE] =	sst s1  }
0xa: {  	[smem:$0x3FAF] =	sst s2  }
0xb: {  	[smem:$0x3FB0] =	sst s3  }
0xc: {  	[smem:$0x3FB1] =	sst s4  }
0xd: {  	[smem:$0x3FB2] =	sst s5  }
0xe: {  	[smem:$0x3FB3] =	sst s6  }
0xf: {  	[smem:$0x3FB4] =	sst s7  }
0x10: {  	[smem:$0x3FB5] =	sst s8  }
0x11: {  	[smem:$0x3FB6] =	sst s9;
	s0 =	simm.s32 @!p0 $0x0  }
0x12: {  	s1 =	sld [smem:$0x3F9C];
	s0 =	simm.s32 @p0 $0x1  }
0x13: {  	[smem:$0x3FB7] =	sst s0;
	s0 =	simm.s32 @!p1 $0x0  }
0x14: {  	s2 =	sld [smem:$0x3F9B];
	s0 =	simm.s32 @p1 $0x1  }
0x15: {  	[smem:$0x3FB8] =	sst s0;
	s0 =	simm.s32 @!p2 $0x0  }
0x16: {  	s3 =	sld [smem:$0x3FDB];
	s0 =	simm.s32 @p2 $0x1  }
0x17: {  	s4 =	simm.s32 $0x1BF5;
	[smem:$0x3FBA] =	sst s0  }
0x18: {  	s0 =	sld [smem:$0x3F9D];
	_ =	swait.ge [sflag:s4], $0x0  }
0x19: {  	s7 =	sld [smem:$0x3F9E]  }
0x1a: {  	s8 =	sadd.s32 $0xFFFFE003, lr  }
0x1b: {  	s9 =	sadd.s32 $0xFFFFFEF7, lr;
	s5 =	simm.s32 $0xFFFFFFFF;
	p2 =	slt.u32 s8, $0xFFFFF086  }
0x1c: {  	p1 =	slt.u32 s9, $0xF7A;
	s5 =	simm.s32 @!p2 $0x0  }
0x1d: {  	s5 =	simm.s32 @p1 $0x1;
	p0 =	seq.s32 s7, s2  }
0x1e: {  	s7 =	smul.u32 @!p0 $0xF7A, s2;
	p2 =	seq.s32 @!p0 s5, $0x0  }
0x1f: {  	s9 =	smul.u32 $0xF7A, s1;
	s8 =	simm.s32 @!p0 $0x1BF5;
	p2 =	por !p2, p0  }
0x20: {  	[sflag:s8] =	ssyncset.s32 @!p0 $0xFFFFF086;
	s6 =	sadd.s32 @!p0 s3, s7;
	s7 =	simm.s32 @!p0 $0x108  }
0x21: {  	s3 =	sadd.s32 s3, s9;
	s6 =	sadd.s32 @!p0 $0x88, s6;
	s7 =	simm.s32 @p2 $0x1082  }
0x22: {  	[simem:s7], [sflag:s8] =	dma.local @!p0 [hbm:s6], $0xF7A  }
0x23: {  	s9 =	sor.u32 $0xD0000000, s2;
	s6 =	simm.s32 $0x108;
	_ =	swait.ge @!p0 [sflag:s8], $0x0  }
0x24: {  	s3 =	sadd.s32 $0x88, s3;
	s6 =	simm.s32 @!p1 $0x1082;
	[sflag:s4] =	ssyncset.s32 $0xFFFFF086  }
0x25: {  	[simem:s6], [sflag:s4] =	dma.local [hbm:s3], $0xF7A  }
0x26: {  	[smem:$0x3F9E] =	sst s1;
	(tag) =	ssettag s2;
	_ =	strace s9  }
0x27: {  	s1 =	sld [smem:$0x3FAE]  }
0x28: {  	s2 =	sld [smem:$0x3FAF]  }
0x29: {  	s4 =	sld [smem:$0x3FB1]  }
0x2a: {  	p0 =	seq.s32 s5, $0x0;
	s5 =	sld [smem:$0x3FB2]  }
0x2b: {  	s6 =	sld [smem:$0x3FB3]  }
0x2c: {  	s7 =	sld [smem:$0x3FB4]  }
0x2d: {  	s3 =	simm.s32 $0x108;
	s8 =	sld [smem:$0x3FB5]  }
0x2e: {  	s3 =	simm.s32 @!p0 $0x1082;
	s9 =	sld [smem:$0x3FB6]  }
0x2f: {  	lr =	sadd.s32 s0, s3;
	s0 =	sld [smem:$0x3FAD]  }
0x30: {  	s3 =	sld [smem:$0x3FB0]  }
0x31: {  	[smem:$0x3FB9] =	sst s10  }
0x32: {  	s10 =	sld [smem:$0x3FB7];
	_ =	sdelay $0x3  }
0x33: {  	p0 =	seq.s32 s10, $0x1;
	s10 =	sld [smem:$0x3FB9];
	_ =	sdelay $0x3  }
0x34: {  	[smem:$0x3FB9] =	sst s10  }
0x35: {  	s10 =	sld [smem:$0x3FB8];
	_ =	sdelay $0x3  }
0x36: {  	p1 =	seq.s32 s10, $0x1;
	s10 =	sld [smem:$0x3FB9];
	_ =	sdelay $0x3  }
0x37: {  	[smem:$0x3FB9] =	sst s10  }
0x38: {  	s10 =	sld [smem:$0x3FBA]  }
0x39: {  	_ = 	snop;
	(pc) =	sbr.ind lr, $3  }
0x3a: {  	_ = 	snop  }
0x3b: {  	_ = 	snop  }
0x3c: {  	p2 =	seq.s32 s10, $0x1;
	s10 =	sld [smem:$0x3FB9]  }
0x3d: {  	_ =	shalt  }
0x3e: {  	_ =	shalt  }
0x3f: {  	_ =	shalt  }
0x40: {  	_ =	shalt  }
0x41: {  	_ =	shalt  }
0x42: {  	_ =	shalt  }
0x43: {  	_ =	shalt  }
0x44: {  	_ =	shalt  }
0x45: {  	_ =	shalt  }
0x46: {  	_ =	shalt  }
0x47: {  	_ =	shalt  }
0x48: {  	_ =	shalt  }
0x49: {  	_ =	shalt  }
0x4a: {  	_ =	shalt  }
0x4b: {  	_ =	shalt  }
0x4c: {  	_ =	shalt  }
0x4d: {  	_ =	shalt  }
0x4e: {  	_ =	shalt  }
0x4f: {  	_ =	shalt  }
0x50: {  	_ =	shalt  }
0x51: {  	_ =	shalt  }
0x52: {  	_ =	shalt  }
0x53: {  	_ =	shalt  }
0x54: {  	_ =	shalt  }
0x55: {  	_ =	shalt  }
0x56: {  	_ =	shalt  }
0x57: {  	_ =	shalt  }
0x58: {  	_ =	shalt  }
0x59: {  	_ =	shalt  }
0x5a: {  	_ =	shalt  }
0x5b: {  	_ =	shalt  }
0x5c: {  	_ =	shalt  }
0x5d: {  	_ =	shalt  }
0x5e: {  	_ =	shalt  }
0x5f: {  	_ =	shalt  }
0x60: {  	_ =	shalt  }
0x61: {  	_ =	shalt  }
0x62: {  	_ =	shalt  }
0x63: {  	_ =	shalt  }
0x64: {  	_ =	shalt  }
0x65: {  	_ =	shalt  }
0x66: {  	_ =	shalt  }
0x67: {  	_ =	shalt  }
0x68: {  	_ =	shalt  }
0x69: {  	_ =	shalt  }
0x6a: {  	_ =	shalt  }
0x6b: {  	_ =	shalt  }
0x6c: {  	_ =	shalt  }
0x6d: {  	_ =	shalt  }
0x6e: {  	_ =	shalt  }
0x6f: {  	_ =	shalt  }
0x70: {  	_ =	shalt  }
0x71: {  	_ =	shalt  }
0x72: {  	_ =	shalt  }
0x73: {  	_ =	shalt  }
0x74: {  	_ =	shalt  }
0x75: {  	_ =	shalt  }
0x76: {  	_ =	shalt  }
0x77: {  	_ =	shalt  }
0x78: {  	_ =	shalt  }
0x79: {  	_ =	shalt  }
0x7a: {  	_ =	shalt  }
0x7b: {  	_ =	shalt  }
0x7c: {  	_ =	shalt  }
0x7d: {  	_ =	shalt  }
0x7e: {  	_ =	shalt  }
0x7f: {  	_ =	shalt  }
0x80: {  	_ =	shalt  }
0x81: {  	_ =	shalt  }
0x82: {  	_ =	shalt  }
0x83: {  	_ =	shalt  }
0x84: {  	_ =	shalt  }
0x85: {  	_ =	shalt  }
0x86: {  	_ =	shalt  }
0x87: {  	_ =	shalt  }
.Lfunc_end0:
.L_simem_size_0:
called_computation.1_lowered:
.L_overlay_start_0:
0x88: {  	s2 =	sld [smem:$0x3FD9]  }
0x89: {  	s3 =	sld [smem:$0x3FFE];
	_ =	sdelay $0x1  }
0x8a: {  	s1 =	srdreg.scid  }
0x8b: {  	s0 =	sand.u32 $0x1, s1  }
0x8c: {  	s17 =	sshll.u32 s0, $0xA;
	s2 =	sadd.s32 s3, s2  }
0x8d: {  	s2 =	sadd.s32 s2, s17  }
0x8e: {  	[smem:$0x3FC5] =	sst s2  }
0x8f: {  	_ = 	snop  }
0x90: {  	s2 =	sld [smem:$0x3FD0];
	(tm) =	ssettm $0x1  }
0x91: {  	s18 =	sld [smem:$0x3FFB];
	_ =	sdelay $0x3  }
0x92: {  	_ =	strace s18  }
0x93: {  	s3 =	sld [smem:$0x3FFC];
	_ =	sdelay $0x3  }
0x94: {  	_ =	strace s3  }
0x95: {  	s3 =	sld [smem:$0x3FFD];
	_ =	sdelay $0x3  }
0x96: {  	_ =	strace s3  }
0x97: {  	_ =	strace $0x8FFFFFFF  }
0x98: {  	s19 =	sld [smem:$0x3FDB];
	_ =	sdelay $0x1  }
0x99: {  	s4 =	simm.s32 $_scs_section_size  }
0x9a: {  	s5 =	simm.s32 $_size__tile_overlayer_lowered;
	s6 =	simm.s32 $_tile_overlayer_lowered  }
0x9b: {  	s22 =	simm.s32 $0x1BFF;
	s21 =	sshll.u32 s6, $0x1;
	s3 =	sadd.s32 s4, s19  }
0x9c: {  	s7 =	simm.s32 $0x0;
	s20 =	sshll.u32 s5, $0x1;
	s5 =	sadd.s32 s21, s3  }
0x9d: {  	[timem:s7], [sflag:s22] =	dma.local [hbm:s5], s20  }
0x9e: {  	_ =	swait.ge [sflag:s22], s20  }
0x9f: {  	s4 =	ssub.s32 $0x0, s20;
	[sflag:s22] =	ssyncset.done $0x0  }
0xa0: {  	[sflag:s22] =	ssyncadd.s32 s4;
	_ =	sdelay $0x1  }
0xa1: {  	s23 =	simm.s32 $0x1B8B  }
0xa2: {  	_ =	swait.ge [sflag:s23], $0x1  }
0xa3: {  	[sflag:s23] =	ssyncset.done $0x0  }
0xa4: {  	s25 =	simm.s32 $0x1B8E;
	s24 =	sld [smem:$0x3FFE];
	[sflag:s23] =	ssyncadd.s32 $0xFFFFFFFF  }
0xa5: {  	s26 =	simm.s32 $execute0_lowered;
	[smem:$0x3FD2] =	sst s25  }
0xa6: {  	s5 =	sshll.u32 s26, $0x1;
	_ =	strace $0x80000049;
	[dreg:$0x1] =	wrdreg $0xFFFFFFFF  }
0xa7: {  	s28 =	simm.s32 $_size_execute0_lowered;
	s3 =	sadd.s32 s3, s5;
	[dreg:$0x0] =	wrdreg $0x0  }
0xa8: {  	s5 =	sshll.u32 s28, $0x1;
	[dreg:$0x2] =	wrdreg s3  }
0xa9: {  	[dreg:$0x3] =	wrdreg s5  }
0xaa: {  	[dreg:$0x4] =	wrdreg $0xC0  }
0xab: {  	_ =	task [dreg:s7], $0x5FFFF  }
0xac: {  	[dreg:$0x1] =	wrdreg $0xFFFFFFFF  }
0xad: {  	[dreg:$0x0] =	wrdreg $0x60  }
0xae: {  	[dreg:$0x2] =	wrdreg s24  }
0xaf: {  	[dreg:$0x3] =	wrdreg s2  }
0xb0: {  	[dreg:$0x4] =	wrdreg $0x9  }
0xb1: {  	_ =	task.clear_ibuf [dreg:s7], $0x5FFFF;
	_ =	strace $0x90000049  }
0xb2: {  	s29 =	simm.s32 $0x9;
	_ =	strace $0x8000004B  }
0xb3: {  	_ =	swait.ge [sflag:s29], $0x1  }
0xb4: {  	[sflag:s29] =	ssyncadd.s32 $0xFFFFFFFF  }
0xb5: {  	_ =	strace $0x9000004B  }
0xb6: {  	_ =	sfence  }
0xb7: {  	s30 =	sld [smem:$0x0];
	_ =	sdelay $0x2  }
0xb8: {  	s31 =	sshll.u32 s1, $0xD;
	s1 =	sshrl.u32 s1, $0x2  }
0xb9: {  	s3 =	sand.u32 $0x4000, s31;
	s1 =	sadd.s32 s1, s30  }
0xba: {  	s0 =	sor.u32 s3, s0;
	s1 =	sshll.u32 s1, $0x11  }
0xbb: {  	s0 =	sor.u32 s1, s0  }
0xbc: {  	s0 =	sadd.s32 $0x8F2B, s0  }
0xbd: {  	[sflag:s0] =	ssyncadd.remote.s32 $0x1  }
0xbe: {  	_ =	sfence.sel $0xFFFF  }
0xbf: {  	[dreg:$0x0] =	wrdreg $0xFFFFFFFF;
	(pc) =	sbr.abs _section_cstart, $3  }
0xc0: {  	[dreg:$0x1] =	wrdreg $0xFFFFFFFF  }
0xc1: {  	_ =	task.clear_ibuf [dreg:s7], $0x2FFFF;
	_ =	strace $0x9FFFFFFF  }
0xc2: {  	(tm) =	ssettm $0x7FFFFFFF  }
0xc3: {  	_ =	shalt  }
tec
execute0_lowered:
.L_overlay_start_1:
0x0: {  	(tag) =	ssettag $0x1  }
0x1: {  	s3 =	rddreg [dreg:$0x0]  }
0x2: {  	s1 =	srdreg.scid;
	s0 =	stileid.u32  }
0x3: {  	s6 =	rddreg [dreg:$0x1];
	s2 =	simm.s32 $0x0;
	s10 =	simm.s32 $0x800  }
0x4: {  	s11 =	simm.s32 $0x2800;
	s12 =	simm.s32 $0x100;
	s13 =	simm.s32 $0x4800  }
0x5: {  	s14 =	simm.s32 $0x1;
	s15 =	simm.s32 $0x8800;
	s16 =	simm.s32 $0x2  }
0x6: {  	s17 =	simm.s32 $0x3;
	s4 =	sand.u32 $0x1, s1;
	s1 =	rddreg [dreg:$0x2]  }
0x7: {  	s18 =	simm.s32 $0x0;
	s5 =	sshll.u32 s0, $0x1;
	[smem:$0x7FF] =	sst s2  }
0x8: {  	s5 =	sor.u32 s4, s5;
	s4 =	ssub.s32 $0x2, s4;
	_ =	strace $0x8000004A  }
0x9: {  	v0 =	vlaneseq.u32;
	s7 =	sshll.u32 s5, $0x6;
	s8 =	sshrl.u32 s4, $0x1;
	s9 =	sshll.u32 s5, $0x9  }
0xa: {  	v1 =	vmul.u32 $0x40, v0;
	v2 =	vor.u32 $0x10, v0;
	s7 =	sadd.s32 s7, s3;
	s3 =	sadd.s32 $0xC5000, s3;
	s8 =	ssub.s32 s4, s8  }
0xb: {  	v3 =	vor.u32 $0x20, v0;
	v4 =	vor.u32 $0x30, v0;
	v5 =	vor.u32 $0x40, v0;
	s6 =	sadd.s32 s6, s9;
	s9 =	simm.s32 $0x4;
	s4 =	sadd.s32 $0x18D000, s7  }
0xc: {  	v6 =	vor.u32 $0x50, v0;
	v7 =	vor.u32 $0x60, v0;
	v8 =	vor.u32 $0x70, v0;
	s5 =	smax.u32 s8, $0x1;
	s7 =	simm.s32 $0x80;
	s8 =	simm.s32 $0x4000  }
.LBB2_1:
0xd: {  	[tilespmem:s2], [sflag:$0x4] =	stream.strided.gather [hbm4b:s4+s7], $0x400, s8, s7, $0x38;
	[tilespmem:$0xC800] =	vst v63  }
0xe: {  	_ =	swait.ge [sflag:s9], $0x400  }
0xf: {  	[sflag:s9] =	ssyncset.done $0x0  }
0x10: {  	[sflag:s9] =	ssyncadd.s32 $0xFFFFFC00  }
0x11: {  	[tilespmem:s10], [sflag:$0x1] =	stream.indirect.gather [hbm4b:s3+s7], $0x40, s2, s7, $0xb8;
	[tilespmem:$0xC800] =	vst v63  }
0x12: {  	_ = 	snop  }
0x13: {  	[tilespmem:s11], [sflag:$0x1] =	stream.indirect.gather [hbm4b:s3+s7], $0x40, s7, s7, $0xb8;
	[tilespmem:$0xC800] =	vst v63  }
0x14: {  	s19 =	simm.s32 $0x0  }
0x15: {  	[tilespmem:s13], [sflag:$0x1] =	stream.indirect.gather [hbm4b:s3+s7], $0x40, s12, s7, $0xb8;
	[tilespmem:$0xC800] =	vst v63  }
.LBB2_3:
0x16: {  	s21 =	smov.u32 s19  }
0x17: {  	s19 =	sadd.s32 $0x1, s19;
	p0 =	seq.s32 s21, $0x63  }
0x18: {  	s20 =	smul.u32 @!p0 $0x29, s19;
	_ =	sdelay $0x1  }
0x19: {  	s22 =	sshrl.u32 @!p0 s20, $0xA  }
0x1a: {  	s22 =	sand.u32 @!p0 $0x3F, s22  }
0x1b: {  	s22 =	smul.u32 @!p0 $0x19, s22  }
0x1c: {  	s23 =	smul.u32 $0x29, s21;
	s24 =	sshll.u32 @!p0 s19, $0xA  }
0x1d: {  	s25 =	simm.s32 @!p0 $0x80;
	s20 =	sshrl.u32 @!p0 s20, $0x6;
	s22 =	ssub.s32 @!p0 s19, s22  }
0x1e: {  	s26 =	simm.s32 @!p0 $0x4000;
	s20 =	sand.u32 @!p0 $0xF0, s20;
	s22 =	sand.u32 @!p0 $0xFF, s22  }
0x1f: {  	s29 =	sshrl.u32 s23, $0xA;
	s20 =	sadd.s32 @!p0 s20, s4;
	s22 =	sshll.u32 @!p0 s22, $0xE  }
0x20: {  	s24 =	sand.u32 @!p0 $0x400, s24;
	s20 =	sadd.s32 @!p0 s22, s20;
	s22 =	smul.u32 $0x19, s29  }
0x21: {  	[tilespmem:s24], [sflag:$0x4] =	stream.strided.gather @!p0 [hbm4b:s20+s25], $0x400, s26, s25, $0x38;
	[tilespmem:$0xC800] =	vst v63  }
0x22: {  	s31 =	sshrl.u32 s23, $0x3;
	s23 =	simm.s32 $0x0;
	s30 =	ssub.s32 s21, s22  }
0x23: {  	s24 =	simm.s32 $0x0;
	s22 =	sand.u32 $0x1F80, s31;
	s20 =	sshll.u32 s30, $0x3  }
0x24: {  	s21 =	sshll.u32 s21, $0x3;
	s22 =	sadd.s32 s6, s22;
	s20 =	sand.u32 $0xF8, s20  }
.LBB2_4:
0x25: {  	s28 =	sadd.s32 s21, s24  }
0x26: {  	_ =	swait.ge [sflag:s14], $0x2000;
	p1 =	sne.s32 @!p0 s24, $0x5;
	s30 =	sshll.u32 s24, $0x7  }
0x27: {  	[sflag:s14] =	ssyncset.done $0x0;
	p2 =	por p1, p0;
	p1 =	sgt.u32 s28, $0x31C  }
0x28: {  	[sflag:s14] =	ssyncadd.s32 $0xFFFFE000;
	s25 =	simm.s32 @!p2 $0x4;
	s26 =	sshll.u32 @!p1 s24, $0xF  }
0x29: {  	s29 =	sshll.u32 @!p1 s28, $0x9;
	_ =	swait.ge @!p2 [sflag:s25], $0x400;
	s26 =	sadd.s32 @!p1 $0x18000, s26  }
0x2a: {  	s29 =	sadd.s32 @!p1 $0x600, s29;
	[sflag:s25] =	ssyncset.done @!p2 $0x0;
	s26 =	sand.u32 @!p1 $0x18000, s26  }
0x2b: {  	[sflag:s25] =	ssyncadd.s32 @!p2 $0xFFFFFC00;
	s25 =	sshrl.u32 @!p1 s26, $0x2;
	s26 =	sand.u32 @!p1 $0x1E00, s29  }
0x2c: {  	s29 =	simm.s32 @!p1 $0x80;
	s25 =	sor.u32 @!p1 $0x800, s25;
	s26 =	sshrl.u32 @!p1 s26, $0x2  }
0x2d: {  	[tilespmem:s25], [sflag:$0x1] =	stream.indirect.gather @!p1 [hbm4b:s3+s29], $0x40, s26, s29, $0xb8;
	[tilespmem:$0xC800] =	vst v63  }
0x2e: {  	v18 =	vadd.s32 s23, v0;
	p2 =	slt.u32 s28, $0x2;
	s26 =	sand.u32 $0x180, s30;
	s25 =	sand.u32 $0x1, s24  }
0x2f: {  	v34 =	vand.u32 $0x3F, v18;
	v18 =	vshll.u32 v18, $0x7;
	s29 =	simm.s32 $0x2;
	s31 =	sor.u32 $0x10, s26;
	p1 =	sne.s32 @!p2 s25, $0x0  }
0x30: {  	v9 =	vmov s26;
	s30 =	sor.u32 $0x20, s26;
	v13 =	vadd.s32 s29, v0;
	v10 =	vmov s31;
	p3 =	por p1, p2;
	s31 =	sor.u32 $0x30, s26  }
0x31: {  	v9 =	vshll.u32 v9, $0x6;
	v11 =	vmov s30;
	s30 =	simm.s32 @!p3 $0x2;
	v12 =	vmov s31;
	s31 =	simm.s32 $0x1  }
0x32: {  	p1 =	seq.s32 s25, $0x1;
	v32 =	vand.u32 $0x3F, v13;
	v9 =	vor.u32 v1, v9;
	_ =	swait.ge @!p3 [sflag:s30], $0x2000;
	v14 =	vadd.s32 s31, v0  }
0x33: {  	v18 =	vand.u32 $0x1F80, v18;
	p2 =	por !p1, p2;
	v16 =	vor.u32 v9, v32;
	[sflag:s30] =	ssyncset.done @!p3 $0x0;
	v36 =	vand.u32 $0x3F, v14  }
0x34: {  	v13 =	vshll.u32 v13, $0x7;
	v10 =	vshll.u32 v10, $0x6;
	s31 =	sshll.u32 s25, $0xD;
	s29 =	simm.s32 @!p2 $0x3;
	[sflag:s30] =	ssyncadd.s32 @!p3 $0xFFFFE000;
	v19 =	vor.u32 v9, v36  }
0x35: {  	v13 =	vand.u32 $0x1F80, v13;
	v10 =	vor.u32 v1, v10;
	v15 =	vmov s31;
	s31 =	simm.s32 $0x3;
	_ =	swait.ge @!p2 [sflag:s29], $0x2000  }
0x36: {  	v14 =	vshll.u32 v14, $0x7;
	v20 =	vadd.s32 s31, v0;
	v17 =	vor.u32 v15, v13;
	[sflag:s29] =	ssyncset.done @!p2 $0x0  }
0x37: {  	v13 =	vor.u32 v9, v34;
	v14 =	vand.u32 $0x1F80, v14;
	v35 =	vand.u32 $0x3F, v20;
	[sflag:s29] =	ssyncadd.s32 @!p2 $0xFFFFE000  }
0x38: {  	v37 =	vor.u32 v15, v14;
	v21 =	vor.u32 v9, v35;
	v14 =	vld.idx.msk [tilespmem:v16+s10+$0x0], $0xffff;
	v16 =	vor.u32 v0, v17  }
0x39: {  	v11 =	vshll.u32 v11, $0x6;
	v24 =	vor.u32 v10, v32;
	v23 =	vor.u32 v0, v37;
	v22 =	vld.idx.msk [tilespmem:v19+s10+$0x0], $0xffff  }
0x3a: {  	v11 =	vor.u32 v1, v11;
	s29 =	sor.u32 $0x40, s26;
	v19 =	vshll.u32 v20, $0x7;
	v20 =	vor.u32 v10, v36  }
0x3b: {  	v38 =	vor.u32 v15, v18;
	v25 =	vmov s29;
	v19 =	vand.u32 $0x1F80, v19  }
0x3c: {  	v18 =	vshll.u32 v25, $0x6;
	v13 =	vld.idx.msk [tilespmem:v13+s10+$0x0], $0xffff;
	v25 =	vor.u32 v0, v38;
	v19 =	vor.u32 v15, v19  }
0x3d: {  	v27 =	vor.u32 v10, v34;
	v21 =	vld.idx.msk [tilespmem:v21+s10+$0x0], $0xffff;
	v26 =	vor.u32 v0, v19;
	[tilespmem:v16+s15+$0x0] =	vst.idx.msk $0xffff, v14  }
0x3e: {  	v28 =	vor.u32 v10, v35;
	[tilespmem:v23+s15+$0x0] =	vst.idx.msk $0xffff, v22;
	v22 =	vld.idx.msk [tilespmem:v24+s10+$0x0], $0xffff;
	v23 =	vor.u32 v2, v17  }
0x3f: {  	v12 =	vshll.u32 v12, $0x6;
	v29 =	vor.u32 v11, v32;
	s30 =	sor.u32 $0x50, s26;
	v24 =	vor.u32 v2, v37;
	v20 =	vld.idx.msk [tilespmem:v20+s10+$0x0], $0xffff  }
0x40: {  	v12 =	vor.u32 v1, v12;
	v31 =	vor.u32 v11, v36;
	v14 =	vmov s30  }
0x41: {  	v33 =	vor.u32 v12, v36;
	v14 =	vshll.u32 v14, $0x6;
	[tilespmem:v25+s15+$0x0] =	vst.idx.msk $0xffff, v13  }
0x42: {  	v25 =	vor.u32 v2, v38;
	v16 =	vor.u32 v1, v14;
	[tilespmem:v26+s15+$0x0] =	vst.idx.msk $0xffff, v21;
	v21 =	vld.idx.msk [tilespmem:v27+s10+$0x0], $0xffff  }
0x43: {  	s31 =	sor.u32 $0x60, s26;
	v27 =	vor.u32 v2, v19;
	v26 =	vld.idx.msk [tilespmem:v28+s10+$0x0], $0xffff;
	[tilespmem:v23+s15+$0x0] =	vst.idx.msk $0xffff, v22;
	v22 =	vor.u32 v11, v34  }
0x44: {  	v30 =	vmov s31;
	v28 =	vor.u32 v11, v35;
	[tilespmem:v24+s15+$0x0] =	vst.idx.msk $0xffff, v20;
	v20 =	vld.idx.msk [tilespmem:v29+s10+$0x0], $0xffff;
	v24 =	vor.u32 v3, v17  }
0x45: {  	v14 =	vshll.u32 v30, $0x6;
	v30 =	vor.u32 v3, v37;
	v29 =	vld.idx.msk [tilespmem:v31+s10+$0x0], $0xffff;
	v31 =	vor.u32 v12, v32  }
0x46: {  	v42 =	vor.u32 v6, v17;
	v46 =	vor.u32 v5, v38;
	v47 =	vor.u32 v5, v17  }
0x47: {  	v48 =	vor.u32 v4, v38;
	v49 =	vor.u32 v5, v37;
	[tilespmem:v25+s15+$0x0] =	vst.idx.msk $0xffff, v21  }
0x48: {  	v63 =	vor.u32 v6, v37;
	[tilespmem:v27+s15+$0x0] =	vst.idx.msk $0xffff, v26;
	v21 =	vld.idx.msk [tilespmem:v22+s10+$0x0], $0xffff;
	v22 =	vor.u32 v3, v38  }
0x49: {  	v18 =	vor.u32 v1, v18;
	[tilespmem:v24+s15+$0x0] =	vst.idx.msk $0xffff, v20;
	v20 =	vld.idx.msk [tilespmem:v28+s10+$0x0], $0xffff;
	v24 =	vor.u32 v3, v19  }
0x4a: {  	v25 =	vor.u32 v12, v34;
	v27 =	vor.u32 v4, v17;
	[tilespmem:v30+s15+$0x0] =	vst.idx.msk $0xffff, v29;
	v26 =	vld.idx.msk [tilespmem:v31+s10+$0x0], $0xffff  }
0x4b: {  	s26 =	sor.u32 $0x70, s26;
	v56 =	vor.u32 v18, v32;
	v30 =	vor.u32 v12, v35;
	v31 =	vor.u32 v4, v37;
	v29 =	vld.idx.msk [tilespmem:v33+s10+$0x0], $0xffff  }
0x4c: {  	v43 =	vor.u32 v18, v36;
	v45 =	vor.u32 v18, v34;
	v13 =	vmov s26  }
0x4d: {  	v44 =	vor.u32 v5, v19;
	s30 =	simm.s32 $0x6;
	v13 =	vshll.u32 v13, $0x6;
	v14 =	vor.u32 v1, v14;
	[tilespmem:v22+s15+$0x0] =	vst.idx.msk $0xffff, v21  }
0x4e: {  	v57 =	vadd.s32 s30, v0;
	v13 =	vor.u32 v1, v13;
	v39 =	vor.u32 v16, v34;
	[tilespmem:v24+s15+$0x0] =	vst.idx.msk $0xffff, v20  }
0x4f: {  	s31 =	simm.s32 $0x7;
	v40 =	vor.u32 v16, v35;
	v41 =	vor.u32 v16, v36;
	v21 =	vld.idx.msk [tilespmem:v25+s10+$0x0], $0xffff;
	[tilespmem:v27+s15+$0x0] =	vst.idx.msk $0xffff, v26  }
0x50: {  	v50 =	vadd.s32 s31, v0;
	v20 =	vand.u32 $0x3F, v57;
	v26 =	vld.idx.msk [tilespmem:v30+s10+$0x0], $0xffff;
	[tilespmem:v31+s15+$0x0] =	vst.idx.msk $0xffff, v29;
	v29 =	vor.u32 v4, v19  }
0x51: {  	s26 =	simm.s32 $0x5;
	v62 =	vor.u32 v14, v36;
	v55 =	vor.u32 v14, v32;
	v52 =	vor.u32 v9, v20;
	v31 =	vld.idx.msk [tilespmem:v56+s10+$0x0], $0xffff  }
0x52: {  	v28 =	vor.u32 v16, v32;
	v22 =	vadd.s32 s26, v0;
	v24 =	vor.u32 v18, v35  }
0x53: {  	v53 =	vshll.u32 v22, $0x7;
	v27 =	vand.u32 $0x3F, v22;
	v22 =	vand.u32 $0x3F, v50;
	v43 =	vld.idx.msk [tilespmem:v43+s10+$0x0], $0xffff  }
0x54: {  	v23 =	vor.u32 v8, v37;
	v58 =	vor.u32 v9, v22;
	[tilespmem:v48+s15+$0x0] =	vst.idx.msk $0xffff, v21  }
0x55: {  	v33 =	vshll.u32 v57, $0x7;
	v51 =	vor.u32 v9, v27;
	v45 =	vld.idx.msk [tilespmem:v45+s10+$0x0], $0xffff;
	[tilespmem:v29+s15+$0x0] =	vst.idx.msk $0xffff, v26  }
0x56: {  	v59 =	vshll.u32 v50, $0x7;
	s29 =	simm.s32 $0x4;
	v33 =	vand.u32 $0x1F80, v33;
	v57 =	vor.u32 v13, v36;
	[tilespmem:v47+s15+$0x0] =	vst.idx.msk $0xffff, v31;
	v47 =	vld.idx.msk [tilespmem:v52+s10+$0x0], $0xffff  }
0x57: {  	v36 =	vor.u32 v13, v34;
	v30 =	vadd.s32 s29, v0;
	v61 =	vor.u32 v10, v20;
	v31 =	vld.idx.msk [tilespmem:v24+s10+$0x0], $0xffff  }
0x58: {  	v25 =	vand.u32 $0x3F, v30;
	v21 =	vor.u32 v15, v33;
	v26 =	vand.u32 $0x1F80, v53;
	[tilespmem:v49+s15+$0x0] =	vst.idx.msk $0xffff, v43;
	v43 =	vld.idx.msk [tilespmem:v28+s10+$0x0], $0xffff  }
0x59: {  	v54 =	vor.u32 v9, v25;
	v50 =	vor.u32 v0, v21;
	v48 =	vld.idx.msk [tilespmem:v58+s10+$0x0], $0xffff;
	v29 =	vor.u32 v15, v26  }
0x5a: {  	v60 =	vor.u32 v10, v27;
	v56 =	vor.u32 v6, v38;
	v49 =	vld.idx.msk [tilespmem:v51+s10+$0x0], $0xffff;
	v51 =	vor.u32 v0, v29  }
0x5b: {  	v33 =	vor.u32 v12, v27;
	v24 =	vshll.u32 v30, $0x7;
	v41 =	vld.idx.msk [tilespmem:v41+s10+$0x0], $0xffff;
	[tilespmem:v46+s15+$0x0] =	vst.idx.msk $0xffff, v45  }
0x5c: {  	v53 =	vor.u32 v2, v21;
	v26 =	vand.u32 $0x1F80, v59;
	v24 =	vand.u32 $0x1F80, v24;
	v39 =	vld.idx.msk [tilespmem:v39+s10+$0x0], $0xffff;
	[tilespmem:v44+s15+$0x0] =	vst.idx.msk $0xffff, v31  }
0x5d: {  	v28 =	vor.u32 v15, v26;
	v26 =	vor.u32 v15, v24;
	[tilespmem:v42+s15+$0x0] =	vst.idx.msk $0xffff, v43;
	v43 =	vld.idx.msk [tilespmem:v40+s10+$0x0], $0xffff  }
0x5e: {  	[tilespmem:v50+s15+$0x0] =	vst.idx.msk $0xffff, v47;
	v47 =	vor.u32 v14, v34;
	v44 =	vor.u32 v0, v28;
	v40 =	vld.idx.msk [tilespmem:v54+s10+$0x0], $0xffff  }
0x5f: {  	v50 =	vor.u32 v0, v26;
	v42 =	vor.u32 v10, v22;
	[tilespmem:v51+s15+$0x0] =	vst.idx.msk $0xffff, v49;
	v49 =	vld.idx.msk [tilespmem:v61+s10+$0x0], $0xffff  }
0x60: {  	v30 =	vor.u32 v8, v19;
	v51 =	vor.u32 v10, v25;
	v54 =	vor.u32 v6, v19;
	v55 =	vld.idx.msk [tilespmem:v55+s10+$0x0], $0xffff  }
0x61: {  	v59 =	vor.u32 v11, v20;
	v46 =	vor.u32 v14, v35;
	[tilespmem:v63+s15+$0x0] =	vst.idx.msk $0xffff, v41;
	v52 =	vld.idx.msk [tilespmem:v60+s10+$0x0], $0xffff  }
0x62: {  	v58 =	vor.u32 v2, v29;
	v24 =	vor.u32 v8, v29;
	[tilespmem:v56+s15+$0x0] =	vst.idx.msk $0xffff, v39;
	v56 =	vld.idx.msk [tilespmem:v62+s10+$0x0], $0xffff  }
0x63: {  	v60 =	vor.u32 v11, v27;
	[tilespmem:v44+s15+$0x0] =	vst.idx.msk $0xffff, v48;
	v39 =	vld.idx.msk [tilespmem:v47+s10+$0x0], $0xffff;
	v47 =	vor.u32 v7, v37  }
0x64: {  	v31 =	vor.u32 v8, v38;
	v61 =	vor.u32 v7, v17;
	[tilespmem:v50+s15+$0x0] =	vst.idx.msk $0xffff, v40;
	v40 =	vld.idx.msk [tilespmem:v42+s10+$0x0], $0xffff  }
0x65: {  	v38 =	vor.u32 v7, v38;
	v37 =	vor.u32 v13, v32;
	[tilespmem:v54+s15+$0x0] =	vst.idx.msk $0xffff, v43;
	v42 =	vld.idx.msk [tilespmem:v51+s10+$0x0], $0xffff  }
0x66: {  	v45 =	vor.u32 v2, v26;
	v34 =	vor.u32 v13, v35;
	[tilespmem:v53+s15+$0x0] =	vst.idx.msk $0xffff, v49;
	v32 =	vld.idx.msk [tilespmem:v46+s10+$0x0], $0xffff  }
0x67: {  	v41 =	vor.u32 v2, v28;
	v48 =	vor.u32 v11, v25;
	[tilespmem:v58+s15+$0x0] =	vst.idx.msk $0xffff, v52;
	v43 =	vld.idx.msk [tilespmem:v59+s10+$0x0], $0xffff  }
0x68: {  	v50 =	vor.u32 v11, v22;
	v46 =	vor.u32 v3, v21;
	v44 =	vld.idx.msk [tilespmem:v60+s10+$0x0], $0xffff;
	[tilespmem:v47+s15+$0x0] =	vst.idx.msk $0xffff, v56  }
0x69: {  	s26 =	simm.s32 $0x8;
	v49 =	vor.u32 v3, v29;
	[tilespmem:v61+s15+$0x0] =	vst.idx.msk $0xffff, v55;
	v47 =	vor.u32 v12, v20;
	v35 =	vld.idx.msk [tilespmem:v57+s10+$0x0], $0xffff  }
.LBB2_5:
0x6a: {  	p2 =	slt.u32 s26, $0x3C;
	[tilespmem:v38+s15+$0x0] =	vst.idx.msk $0xffff, v39;
	v37 =	vld.idx.msk [tilespmem:v37+s10+$0x0], $0xffff;
	v17 =	vor.u32 v8, v17;
	v19 =	vor.u32 v7, v19;
	s28 =	smov.u32 s26;
	s26 =	sadd.s32 $0x4, s26  }
0x6b: {  	v38 =	vor.u32 v16, v25;
	v39 =	vor.u32 v16, v22;
	[tilespmem:v45+s15+$0x0] =	vst.idx.msk $0xffff, v42;
	v36 =	vld.idx.msk [tilespmem:v36+s10+$0x0], $0xffff  }
0x6c: {  	v45 =	vor.u32 v16, v27;
	v42 =	vld.idx.msk [tilespmem:v48+s10+$0x0], $0xffff;
	v48 =	vor.u32 v6, v21;
	[tilespmem:v41+s15+$0x0] =	vst.idx.msk $0xffff, v40  }
0x6d: {  	v40 =	vor.u32 v3, v26;
	v41 =	vor.u32 v16, v20;
	[tilespmem:v46+s15+$0x0] =	vst.idx.msk $0xffff, v43;
	v43 =	vld.idx.msk [tilespmem:v50+s10+$0x0], $0xffff  }
0x6e: {  	v46 =	vor.u32 v12, v25;
	[tilespmem:v49+s15+$0x0] =	vst.idx.msk $0xffff, v44;
	v44 =	vld.idx.msk [tilespmem:v47+s10+$0x0], $0xffff;
	v47 =	vor.u32 v3, v28  }
0x6f: {  	v50 =	vor.u32 v12, v22;
	v49 =	vor.u32 v4, v21;
	v33 =	vld.idx.msk [tilespmem:v33+s10+$0x0], $0xffff;
	[tilespmem:v23+s15+$0x0] =	vst.idx.msk $0xffff, v35  }
0x70: {  	v51 =	vor.u32 v18, v20;
	v23 =	vor.u32 v4, v29;
	v35 =	vmov v25;
	[tilespmem:v17+s15+$0x0] =	vst.idx.msk $0xffff, v37  }
0x71: {  	v17 =	vor.u32 v18, v27;
	v37 =	vor.u32 v5, v28;
	[tilespmem:v19+s15+$0x0] =	vst.idx.msk $0xffff, v32;
	v32 =	vmov v27  }
0x72: {  	[tilespmem:v40+s15+$0x0] =	vst.idx.msk $0xffff, v42;
	v40 =	vor.u32 v18, v35;
	v42 =	vor.u32 v5, v26;
	v34 =	vld.idx.msk [tilespmem:v34+s10+$0x0], $0xffff  }
0x73: {  	v52 =	vor.u32 v5, v21;
	v46 =	vld.idx.msk [tilespmem:v46+s10+$0x0], $0xffff;
	[tilespmem:v47+s15+$0x0] =	vst.idx.msk $0xffff, v43;
	v43 =	vor.u32 v18, v22  }
0x74: {  	v53 =	vor.u32 v5, v29;
	v47 =	vor.u32 v4, v26;
	[tilespmem:v49+s15+$0x0] =	vst.idx.msk $0xffff, v44;
	v44 =	vld.idx.msk [tilespmem:v50+s10+$0x0], $0xffff  }
0x75: {  	s29 =	sadd.s32 $0x1, s28;
	s30 =	sadd.s32 $0x2, s28;
	v49 =	vadd.s32 s28, v0;
	s28 =	sadd.s32 $0x3, s28;
	v50 =	vor.u32 v4, v28;
	[tilespmem:v23+s15+$0x0] =	vst.idx.msk $0xffff, v33;
	v33 =	vld.idx.msk [tilespmem:v51+s10+$0x0], $0xffff;
	v51 =	vmov v20  }
0x76: {  	v57 =	vmovc v22;
	v54 =	vadd.s32 s30, v0;
	v23 =	vadd.s32 s29, v0;
	v55 =	vadd.s32 s28, v0;
	v56 =	vld.idx.msk [tilespmem:v17+s10+$0x0], $0xffff;
	v17 =	vmovc v21  }
0x77: {  	v19 =	vmovc v28;
	v25 =	vand.u32 $0x3F, v49;
	v20 =	vand.u32 $0x3F, v54;
	v27 =	vand.u32 $0x3F, v23;
	[tilespmem:v31+s15+$0x0] =	vst.idx.msk $0xffff, v36;
	v36 =	vmovc v29  }
0x78: {  	v28 =	vor.u32 v9, v20;
	v21 =	vshll.u32 v54, $0x7;
	v31 =	vor.u32 v9, v27;
	[tilespmem:v30+s15+$0x0] =	vst.idx.msk $0xffff, v34  }
0x79: {  	v22 =	vand.u32 $0x3F, v55;
	v29 =	vshll.u32 v23, $0x7;
	v21 =	vand.u32 $0x1F80, v21;
	v34 =	vmovc v26;
	v23 =	vmovc v24;
	[tilespmem:v47+s15+$0x0] =	vst.idx.msk $0xffff, v46  }
0x7a: {  	v21 =	vor.u32 v15, v21;
	v30 =	vor.u32 v9, v22;
	v40 =	vld.idx.msk [tilespmem:v40+s10+$0x0], $0xffff;
	[tilespmem:v50+s15+$0x0] =	vst.idx.msk $0xffff, v44  }
0x7b: {  	v24 =	vand.u32 $0x1F80, v29;
	v26 =	vshll.u32 v55, $0x7;
	v44 =	vor.u32 v9, v25;
	[tilespmem:v52+s15+$0x0] =	vst.idx.msk $0xffff, v33;
	v43 =	vld.idx.msk [tilespmem:v43+s10+$0x0], $0xffff  }
0x7c: {  	v29 =	vor.u32 v15, v24;
	v24 =	vand.u32 $0x1F80, v26;
	v33 =	vshll.u32 v49, $0x7;
	[tilespmem:v53+s15+$0x0] =	vst.idx.msk $0xffff, v56;
	v41 =	vld.idx.msk [tilespmem:v41+s10+$0x0], $0xffff  }
0x7d: {  	v26 =	vand.u32 $0x1F80, v33;
	v33 =	vor.u32 v12, v27;
	v46 =	vld.idx.msk [tilespmem:v28+s10+$0x0], $0xffff;
	v28 =	vor.u32 v15, v24  }
0x7e: {  	v47 =	vor.u32 v0, v21;
	v26 =	vor.u32 v15, v26;
	v24 =	vor.u32 v8, v29;
	v31 =	vld.idx.msk [tilespmem:v31+s10+$0x0], $0xffff  }
0x7f: {  	v50 =	vor.u32 v10, v27;
	v49 =	vor.u32 v0, v29;
	v52 =	vor.u32 v10, v20;
	v53 =	vld.idx.msk [tilespmem:v30+s10+$0x0], $0xffff  }
0x80: {  	v30 =	vor.u32 v8, v19;
	[tilespmem:v42+s15+$0x0] =	vst.idx.msk $0xffff, v40;
	v40 =	vld.idx.msk [tilespmem:v45+s10+$0x0], $0xffff;
	v42 =	vor.u32 v14, v32  }
0x81: {  	v54 =	vor.u32 v14, v51;
	v45 =	vor.u32 v6, v36;
	v38 =	vld.idx.msk [tilespmem:v38+s10+$0x0], $0xffff;
	[tilespmem:v37+s15+$0x0] =	vst.idx.msk $0xffff, v43  }
0x82: {  	v37 =	vor.u32 v0, v28;
	v43 =	vor.u32 v6, v34;
	[tilespmem:v48+s15+$0x0] =	vst.idx.msk $0xffff, v41;
	v48 =	vld.idx.msk [tilespmem:v39+s10+$0x0], $0xffff  }
0x83: {  	v39 =	vor.u32 v14, v35;
	v41 =	vld.idx.msk [tilespmem:v44+s10+$0x0], $0xffff;
	[tilespmem:v47+s15+$0x0] =	vst.idx.msk $0xffff, v46;
	v44 =	vor.u32 v10, v22  }
0x84: {  	v46 =	vor.u32 v0, v26;
	[tilespmem:v49+s15+$0x0] =	vst.idx.msk $0xffff, v31;
	v47 =	vld.idx.msk [tilespmem:v52+s10+$0x0], $0xffff;
	v31 =	vor.u32 v8, v34  }
0x85: {  	v55 =	vor.u32 v6, v19;
	v49 =	vor.u32 v10, v25;
	v52 =	vor.u32 v2, v21;
	v50 =	vld.idx.msk [tilespmem:v50+s10+$0x0], $0xffff  }
0x86: {  	v56 =	vor.u32 v13, v32;
	v32 =	vor.u32 v14, v57;
	[tilespmem:v45+s15+$0x0] =	vst.idx.msk $0xffff, v40;
	v54 =	vld.idx.msk [tilespmem:v54+s10+$0x0], $0xffff  }
0x87: {  	v59 =	vor.u32 v11, v20;
	v58 =	vor.u32 v2, v29;
	[tilespmem:v43+s15+$0x0] =	vst.idx.msk $0xffff, v38;
	v60 =	vld.idx.msk [tilespmem:v42+s10+$0x0], $0xffff  }
0x88: {  	v61 =	vor.u32 v11, v27;
	[tilespmem:v37+s15+$0x0] =	vst.idx.msk $0xffff, v53;
	v39 =	vld.idx.msk [tilespmem:v39+s10+$0x0], $0xffff;
	v53 =	vor.u32 v7, v36  }
0x89: {  	v62 =	vor.u32 v7, v17;
	[tilespmem:v46+s15+$0x0] =	vst.idx.msk $0xffff, v41;
	v40 =	vld.idx.msk [tilespmem:v44+s10+$0x0], $0xffff;
	v41 =	vor.u32 v2, v28  }
.Ltmp0:
0x8a: {  	v38 =	vor.u32 v7, v34;
	v37 =	vor.u32 v13, v51;
	v42 =	vld.idx.msk [tilespmem:v49+s10+$0x0], $0xffff;
	[tilespmem:v55+s15+$0x0] =	vst.idx.msk $0xffff, v48;
	(pc) =	sbr.rel @p2 .LBB2_5-.Ltmp0, $4  }
0x8b: {  	v45 =	vor.u32 v2, v26;
	v36 =	vor.u32 v13, v35;
	[tilespmem:v52+s15+$0x0] =	vst.idx.msk $0xffff, v47;
	v32 =	vld.idx.msk [tilespmem:v32+s10+$0x0], $0xffff  }
0x8c: {  	v34 =	vor.u32 v13, v57;
	v48 =	vor.u32 v11, v25;
	[tilespmem:v58+s15+$0x0] =	vst.idx.msk $0xffff, v50;
	v43 =	vld.idx.msk [tilespmem:v59+s10+$0x0], $0xffff  }
0x8d: {  	v46 =	vor.u32 v3, v21;
	v50 =	vor.u32 v11, v22;
	v44 =	vld.idx.msk [tilespmem:v61+s10+$0x0], $0xffff;
	[tilespmem:v53+s15+$0x0] =	vst.idx.msk $0xffff, v60  }
0x8e: {  	v49 =	vor.u32 v3, v29;
	v47 =	vor.u32 v12, v20;
	v35 =	vld.idx.msk [tilespmem:v56+s10+$0x0], $0xffff;
	[tilespmem:v62+s15+$0x0] =	vst.idx.msk $0xffff, v54  }
0x8f: {  	_ =	sdelay $0x3  }
0x90: {  	[tilespmem:v45+s15+$0x0] =	vst.idx.msk $0xffff, v42  }
0x91: {  	[tilespmem:v41+s15+$0x0] =	vst.idx.msk $0xffff, v40;
	v10 =	vor.u32 v3, v26;
	v9 =	vld.idx.msk [tilespmem:v48+s10+$0x0], $0xffff  }
0x92: {  	v15 =	vor.u32 v12, v25;
	v52 =	vor.u32 v3, v28;
	v11 =	vld.idx.msk [tilespmem:v50+s10+$0x0], $0xffff  }
0x93: {  	v53 =	vor.u32 v12, v22  }
0x94: {  	[tilespmem:v49+s15+$0x0] =	vst.idx.msk $0xffff, v44  }
0x95: {  	v54 =	vor.u32 v4, v29;
	[tilespmem:v46+s15+$0x0] =	vst.idx.msk $0xffff, v43;
	v33 =	vld.idx.msk [tilespmem:v33+s10+$0x0], $0xffff  }
0x96: {  	v56 =	vor.u32 v4, v21;
	v57 =	vor.u32 v18, v27;
	v55 =	vld.idx.msk [tilespmem:v47+s10+$0x0], $0xffff;
	[tilespmem:v10+s15+$0x0] =	vst.idx.msk $0xffff, v9  }
0x97: {  	v9 =	vor.u32 v18, v20;
	[tilespmem:v52+s15+$0x0] =	vst.idx.msk $0xffff, v11;
	v11 =	vor.u32 v4, v26;
	v10 =	vld.idx.msk [tilespmem:v15+s10+$0x0], $0xffff  }
0x98: {  	v58 =	vor.u32 v18, v25;
	v59 =	vor.u32 v4, v28;
	v12 =	vld.idx.msk [tilespmem:v53+s10+$0x0], $0xffff  }
0x99: {  	v60 =	vor.u32 v18, v22  }
0x9a: {  	[tilespmem:v54+s15+$0x0] =	vst.idx.msk $0xffff, v33  }
0x9b: {  	v61 =	vor.u32 v5, v29;
	[tilespmem:v56+s15+$0x0] =	vst.idx.msk $0xffff, v55;
	v41 =	vld.idx.msk [tilespmem:v57+s10+$0x0], $0xffff  }
0x9c: {  	v62 =	vor.u32 v16, v27;
	v63 =	vor.u32 v5, v21;
	v9 =	vld.idx.msk [tilespmem:v9+s10+$0x0], $0xffff;
	[tilespmem:v11+s15+$0x0] =	vst.idx.msk $0xffff, v10  }
0x9d: {  	v10 =	vor.u32 v16, v20;
	v11 =	vor.u32 v5, v26;
	[tilespmem:v59+s15+$0x0] =	vst.idx.msk $0xffff, v12;
	v15 =	vld.idx.msk [tilespmem:v58+s10+$0x0], $0xffff  }
0x9e: {  	v45 =	vor.u32 v5, v28;
	v44 =	vor.u32 v16, v25;
	v18 =	vld.idx.msk [tilespmem:v60+s10+$0x0], $0xffff  }
0x9f: {  	v46 =	vor.u32 v16, v22  }
0xa0: {  	[tilespmem:v61+s15+$0x0] =	vst.idx.msk $0xffff, v41  }
0xa1: {  	v47 =	vor.u32 v6, v29;
	[tilespmem:v63+s15+$0x0] =	vst.idx.msk $0xffff, v9;
	v9 =	vld.idx.msk [tilespmem:v62+s10+$0x0], $0xffff  }
0xa2: {  	v48 =	vor.u32 v6, v21;
	v10 =	vld.idx.msk [tilespmem:v10+s10+$0x0], $0xffff;
	[tilespmem:v11+s15+$0x0] =	vst.idx.msk $0xffff, v15;
	v11 =	vor.u32 v14, v27  }
0xa3: {  	v50 =	vor.u32 v6, v26;
	v49 =	vor.u32 v14, v20;
	[tilespmem:v45+s15+$0x0] =	vst.idx.msk $0xffff, v18;
	v12 =	vld.idx.msk [tilespmem:v44+s10+$0x0], $0xffff  }
0xa4: {  	[tilespmem:v38+s15+$0x0] =	vst.idx.msk $0xffff, v39;
	v51 =	vor.u32 v14, v25;
	v52 =	vor.u32 v6, v28;
	v16 =	vld.idx.msk [tilespmem:v46+s10+$0x0], $0xffff  }
0xa5: {  	v19 =	vor.u32 v7, v19;
	[tilespmem:v23+s15+$0x0] =	vst.idx.msk $0xffff, v35;
	v53 =	vor.u32 v14, v22  }
0xa6: {  	v37 =	vld.idx.msk [tilespmem:v37+s10+$0x0], $0xffff;
	v17 =	vor.u32 v8, v17;
	[tilespmem:v47+s15+$0x0] =	vst.idx.msk $0xffff, v9  }
0xa7: {  	[tilespmem:v48+s15+$0x0] =	vst.idx.msk $0xffff, v10;
	v10 =	vor.u32 v7, v29;
	v9 =	vld.idx.msk [tilespmem:v11+s10+$0x0], $0xffff  }
0xa8: {  	v54 =	vor.u32 v7, v21;
	v11 =	vor.u32 v13, v27;
	v15 =	vld.idx.msk [tilespmem:v49+s10+$0x0], $0xffff;
	[tilespmem:v50+s15+$0x0] =	vst.idx.msk $0xffff, v12  }
0xa9: {  	v55 =	vor.u32 v7, v26;
	v56 =	vor.u32 v13, v20;
	[tilespmem:v52+s15+$0x0] =	vst.idx.msk $0xffff, v16;
	v18 =	vld.idx.msk [tilespmem:v51+s10+$0x0], $0xffff  }
0xaa: {  	[tilespmem:v19+s15+$0x0] =	vst.idx.msk $0xffff, v32;
	v57 =	vor.u32 v13, v25;
	v58 =	vor.u32 v7, v28;
	v14 =	vld.idx.msk [tilespmem:v53+s10+$0x0], $0xffff  }
0xab: {  	[tilespmem:v17+s15+$0x0] =	vst.idx.msk $0xffff, v37;
	v19 =	vld.idx.msk [tilespmem:v34+s10+$0x0], $0xffff;
	v60 =	vor.u32 v13, v22  }
0xac: {  	v59 =	vld.idx.msk [tilespmem:v36+s10+$0x0], $0xffff;
	[tilespmem:v10+s15+$0x0] =	vst.idx.msk $0xffff, v9  }
0xad: {  	[tilespmem:v54+s15+$0x0] =	vst.idx.msk $0xffff, v15;
	v9 =	vld.idx.msk [tilespmem:v11+s10+$0x0], $0xffff  }
0xae: {  	v10 =	vld.idx.msk [tilespmem:v56+s10+$0x0], $0xffff;
	v11 =	vor.u32 v8, v21;
	[tilespmem:v55+s15+$0x0] =	vst.idx.msk $0xffff, v18  }
0xaf: {  	v61 =	vor.u32 v8, v26;
	[tilespmem:v58+s15+$0x0] =	vst.idx.msk $0xffff, v14;
	v62 =	vld.idx.msk [tilespmem:v57+s10+$0x0], $0xffff  }
0xb0: {  	[tilespmem:v30+s15+$0x0] =	vst.idx.msk $0xffff, v19;
	v63 =	vor.u32 v8, v28;
	v13 =	vld.idx.msk [tilespmem:v60+s10+$0x0], $0xffff  }
0xb1: {  	[tilespmem:v31+s15+$0x0] =	vst.idx.msk $0xffff, v59  }
0xb2: {  	p2 =	sne.s32 s25, $0x0;
	s25 =	sor.u32 s20, s24;
	[tilespmem:v24+s15+$0x0] =	vst.idx.msk $0xffff, v9  }
0xb3: {  	s24 =	sadd.s32 $0x1, s24;
	s26 =	sshll.u32 @!p2 s25, $0x11;
	[tilespmem:v11+s15+$0x0] =	vst.idx.msk $0xffff, v10  }
0xb4: {  	s28 =	simm.s32 @!p2 $0x400;
	s29 =	simm.s32 @!p2 $0x20000;
	s25 =	sshll.u32 @p1 s25, $0x11;
	[tilespmem:v61+s15+$0x0] =	vst.idx.msk $0xffff, v62  }
0xb5: {  	s30 =	simm.s32 @!p2 $0x8800;
	s26 =	sadd.s32 @!p2 s26, s22;
	s25 =	sadd.s32 @p1 s25, s22;
	[tilespmem:v63+s15+$0x0] =	vst.idx.msk $0xffff, v13  }
0xb6: {  	[hbm4b:s26+s28] =	stream.strided.scatter @!p2 [tilespmem:s30], [sflag:$0x2], $0x2000, s29, s28, $0x38;
	[tilespmem:$0xC800] =	vst v63  }
0xb7: {  	s26 =	simm.s32 @p1 $0x400;
	s28 =	simm.s32 @p1 $0x20000;
	s29 =	simm.s32 @p1 $0xA800  }
0xb8: {  	[hbm4b:s25+s26] =	stream.strided.scatter @p1 [tilespmem:s29], [sflag:$0x3], $0x2000, s28, s26, $0x38;
	[tilespmem:$0xC800] =	vst v63  }
0xb9: {  	p1 =	seq.s32 s24, $0x8  }
.Ltmp1:
0xba: {  	_ = 	snop;
	(pc) =	sbr.rel @!p1 .LBB2_4-.Ltmp1, $1  }
0xbb: {  	_ =	sdelay $0x3  }
0xbc: {  	p0 =	seq.s32 s19, $0x64  }
.Ltmp2:
0xbd: {  	_ = 	snop;
	(pc) =	sbr.rel @!p0 .LBB2_3-.Ltmp2, $1  }
0xbe: {  	_ =	sdelay $0x3  }
0xbf: {  	s18 =	sadd.s32 $0x1, s18  }
0xc0: {  	_ =	swait.ge [sflag:s16], $0x2000;
	p0 =	sne.s32 s18, s5  }
.Ltmp3:
0xc1: {  	[sflag:s16] =	ssyncset.done $0x0;
	(pc) =	sbr.rel @p0 .LBB2_1-.Ltmp3, $4  }
0xc2: {  	[sflag:s16] =	ssyncadd.s32 $0xFFFFE000  }
0xc3: {  	_ =	swait.ge [sflag:s17], $0x2000  }
0xc4: {  	[sflag:s17] =	ssyncset.done $0x0  }
0xc5: {  	[sflag:s17] =	ssyncadd.s32 $0xFFFFE000  }
0xc6: {  	_ =	sfence.sel $0x180000  }
0xc7: {  	[bflag:$0x0] =	sbarrier.arrive $0xFFFF  }
0xc8: {  	p0 =	sne.s32 s0, $0x0;
	_ =	strace $0x9000004A  }
0xc9: {  	s0 =	sadd.s32 @!p0 $0x100000, s1;
	[bflag:$0x2] =	sbarrier.arrive $0xFFFF  }
0xca: {  	[sflag:s0] =	ssyncadd.tile.s32 @!p0 $0x1;
	_ =	shalt  }
.Lfunc_end2:
_tile_overlayer_lowered:
.L_overlay_start_2:
0xcb: {  	(tag) =	ssettag $0x2  }
0xcc: {  	s0 =	rddreg [dreg:$0x0];
	s2 =	stileid.u32  }
0xcd: {  	s1 =	rddreg [dreg:$0x1];
	p0 =	sne.s32 s2, $0x0  }
0xce: {  	s3 =	rddreg [dreg:$0x2];
	[bflag:$0x3] =	sbarrier.arrive $0xFFFF;
	s2 =	simm.s32 @!p0 $0x1C05  }
0xcf: {  	[timem:s3], [sflag:s2] =	dma.local @!p0 [hbm:s0], s1  }
0xd0: {  	s0 =	simm.s32 @!p0 $0x5  }
0xd1: {  	_ =	swait.ge @!p0 [sflag:s0], s1  }
0xd2: {  	s1 =	ssub.s32 @!p0 $0x0, s1;
	[sflag:s0] =	ssyncset.done @!p0 $0x0  }
0xd3: {  	[sflag:s0] =	ssyncadd.s32 @!p0 s1  }
0xd4: {  	[bflag:$0x3] =	sbarrier.arrive $0xFFFF  }
0xd5: {  	_ =	shalt  }

</sc_bundles>
